<compile_context>
chip_gen: v7x
topology: tpu7x:2x2x1
jax: 0.10.2.dev20260603
libtpu: 0.0.44.dev20260713+nightly
codegen_flags: <defaults>
</compile_context>

<pallas_src>
import functools

import jax
import jax.numpy as jnp
from jax import lax
from jax.experimental import pallas as pl
from jax.experimental.pallas import tpu as pltpu
from jax.experimental.pallas import tpu_sc as plsc

_NUM_CORES = 2
_NUM_SUBCORES = 16
_NUM_WORKERS = _NUM_CORES * _NUM_SUBCORES

_CHUNK_B = 16


@functools.lru_cache(maxsize=None)
def _make_gather(batch: int, hist: int, d: int):
    b_per_w = batch // _NUM_WORKERS
    steps = b_per_w // _CHUNK_B
    assert steps * _CHUNK_B == b_per_w
    mesh = plsc.VectorSubcoreMesh(core_axis_name="c", subcore_axis_name="s")

    @functools.partial(
        pl.kernel,
        out_type=jax.ShapeDtypeStruct((batch, hist, d), jnp.float32),
        mesh=mesh,
        compiler_params=pltpu.CompilerParams(use_tc_tiling_on_sc=False),
        scratch_types=[
            pltpu.VMEM((_CHUNK_B, hist), jnp.int32),
            pltpu.VMEM((_CHUNK_B, hist, d), jnp.float32),
            pltpu.SemaphoreType.DMA,
        ],
    )
    def gather(tids_hbm, w_hbm, out_hbm, idx_v, rows_v, sem):
        wid = lax.axis_index("s") * _NUM_CORES + lax.axis_index("c")
        base = wid * b_per_w

        def step(i, carry):
            b0 = base + i * _CHUNK_B
            pltpu.sync_copy(tids_hbm.at[pl.ds(b0, _CHUNK_B)], idx_v)
            handles = []
            for r in range(_CHUNK_B):
                handles.append(
                    pltpu.async_copy(w_hbm.at[idx_v.at[r]], rows_v.at[r],
                                     sem))
            for h in handles:
                h.wait()
            pltpu.sync_copy(rows_v, out_hbm.at[pl.ds(b0, _CHUNK_B)])
            return carry

        lax.fori_loop(0, steps, step, 0)

    return gather


def kernel(token_ids, W):
    batch, hist = token_ids.shape
    _, d = W.shape
    return _make_gather(batch, hist, d)(token_ids, W)

# --- scband reference (transcript-rebuilt; emitter-appended) ---
"""Pipeline reference for scband-embedding-55250459296088 (READ-ONLY COPY).

The authoritative reference and input builder live on the scoring server;
editing this copy changes nothing except your own understanding.
"""

import jax, jax.numpy as jnp
import numpy as np

NUM_EMBEDDINGS = 1000000
EMBEDDING_DIM = 32
BATCH = 16384
HIST = 50

def setup_inputs(seed: int = 0) -> dict:
    key = jax.random.key(seed)
    k_ids, k_w = jax.random.split(key)
    token_ids = jax.random.randint(k_ids, (BATCH, HIST), 0, NUM_EMBEDDINGS, dtype=jnp.int64 if jax.config.jax_enable_x64 else jnp.int32)
    W = jax.random.truncated_normal(k_w, -3.0, 3.0, (NUM_EMBEDDINGS, EMBEDDING_DIM), dtype=jnp.float32)
    return {"token_ids": token_ids, "W": W}

def reference(token_ids, W):
    # W[token_ids]: gather rows of the embedding table
    return jnp.take(W, token_ids, axis=0)

if __name__ == "__main__":
    import jax
    _d = setup_inputs()
    print(jax.jit(kernel)(*tuple(_d.values())))

</pallas_src>

<mosaic_0001>
#map = affine_map<(d0, d1) -> (0, 0)>
#map1 = affine_map<(d0, d1) -> (0, 0, 0)>
module attributes {stable_mosaic.version = 14 : i64} {
  func.func @gather(%arg0: i32, %arg1: i32, %arg2: memref<16384x50xi32, #tpu.memory_space<hbm>>, %arg3: memref<1000000x32xf32, #tpu.memory_space<hbm>>, %arg4: memref<16384x50x32xf32, #tpu.memory_space<hbm>>, %arg5: memref<16x50xi32, #tpu.memory_space<vmem>>, %arg6: memref<16x50x32xf32, #tpu.memory_space<vmem>>, %arg7: memref<!tpu.dma_semaphore, #tpu.memory_space<semaphore_mem>>) attributes {dimension_semantics = [#tpu.dimension_semantics<core_parallel>, #tpu.dimension_semantics<subcore_parallel>], iteration_bounds = array<i64: 2, 16>, scalar_prefetch = 0 : i64, scratch_operands = 3 : i64, tpu.core_type = #tpu.core_type<sc_vector_subcore>, window_params = [{transform_indices = #map}, {transform_indices = #map}, {transform_indices = #map1}]} {
    %mul3A = arith.constant 2 : i32
    %mul3A_0 = arith.muli %arg1, %mul3A : i32
    %add3A = arith.addi %mul3A_0, %arg0 : i32
    %mul3A_1 = arith.constant 512 : i32
    %mul3A_2 = arith.muli %add3A, %mul3A_1 : i32
    %scan3A = arith.constant 0 : i32
    %scan3A_3 = arith.constant 0 : i32
    %scan3A_4 = arith.constant 32 : i32
    %scan3A_5 = arith.addi %scan3A_3, %scan3A_4 : i32
    %scan3A_6 = arith.constant 1 : i32
    scf.for %scan3A_8 = %scan3A_3 to %scan3A_5 step %scan3A_6  : i32 {
      %mul3A_9 = arith.constant 16 : i32
      %mul3A_10 = arith.muli %scan3A_8, %mul3A_9 : i32
      %add3A_11 = arith.addi %mul3A_2, %mul3A_10 : i32
      "tpu.region"() ({
        %run_scoped3A = tpu.sem_alloc : memref<!tpu.dma_semaphore, #tpu.memory_space<semaphore_mem>>
        %dma_start3A_394 = arith.constant 0 : i32
        %dma_start3A_395 = tpu.memref_slice %arg2[%add3A_11, %dma_start3A_394] : memref<16384x50xi32, #tpu.memory_space<hbm>> -> memref<16x50xi32, #tpu.memory_space<hbm>>
        %dma_start3A_396 = arith.constant 0 : i32
        %dma_start3A_397 = tpu.memref_slice %arg2[%add3A_11, %dma_start3A_396] : memref<16384x50xi32, #tpu.memory_space<hbm>> -> memref<16x50xi32, #tpu.memory_space<hbm>>
        tpu.enqueue_dma source(%dma_start3A_397 : memref<16x50xi32, #tpu.memory_space<hbm>>) target(%arg5 : memref<16x50xi32, #tpu.memory_space<vmem>>) target_semaphore(%run_scoped3A : memref<!tpu.dma_semaphore, #tpu.memory_space<semaphore_mem>>)
        %dma_wait3A_398 = arith.constant 0 : i32
        %dma_wait3A_399 = tpu.memref_slice %arg2[%add3A_11, %dma_wait3A_398] : memref<16384x50xi32, #tpu.memory_space<hbm>> -> memref<16x50xi32, #tpu.memory_space<hbm>>
        %dma_wait3A_400 = arith.constant 0 : i32
        %dma_wait3A_401 = tpu.memref_slice %arg2[%add3A_11, %dma_wait3A_400] : memref<16384x50xi32, #tpu.memory_space<hbm>> -> memref<16x50xi32, #tpu.memory_space<hbm>>
        tpu.wait_dma2 semaphore(%run_scoped3A : memref<!tpu.dma_semaphore, #tpu.memory_space<semaphore_mem>>) src(%dma_wait3A_401 : memref<16x50xi32, #tpu.memory_space<hbm>>) dst(%arg5 : memref<16x50xi32, #tpu.memory_space<vmem>>)
        tpu.yield
      }) : () -> ()
      %dma_start3A = arith.constant 0 : i32
      %dma_start3A_12 = arith.constant 0 : i32
      %dma_start3A_13 = arith.constant 0 : i32
      %dma_start3A_14 = arith.constant 0 : i32
      %dma_start3A_15 = tpu.memref_slice %arg6[%dma_start3A_12, %dma_start3A_13, %dma_start3A_14] : memref<16x50x32xf32, #tpu.memory_space<vmem>> -> memref<1x50x32xf32, #tpu.memory_space<vmem>>
      %dma_start3A_16 = tpu.memref_squeeze %dma_start3A_15 : memref<1x50x32xf32, #tpu.memory_space<vmem>> -> memref<50x32xf32, #tpu.memory_space<vmem>>
      %dma_start3A_17 = arith.constant 0 : i32
      %dma_start3A_18 = tpu.memref_slice %arg5[%dma_start3A, %dma_start3A_17] : memref<16x50xi32, #tpu.memory_space<vmem>> -> memref<1x50xi32, #tpu.memory_space<vmem>>
      %dma_start3A_19 = tpu.memref_squeeze %dma_start3A_18 : memref<1x50xi32, #tpu.memory_space<vmem>> -> memref<50xi32, #tpu.memory_space<vmem>>
      %dma_start3A_20 = arith.constant 0 : i32
      %dma_start3A_21 = arith.constant 0 : i32
      %dma_start3A_22 = tpu.memref_slice %arg3[%dma_start3A_20, %dma_start3A_21] : memref<1000000x32xf32, #tpu.memory_space<hbm>> -> memref<1000000x32xf32, #tpu.memory_space<hbm>>
      tpu.enqueue_indirect_dma source(%dma_start3A_22 : memref<1000000x32xf32, #tpu.memory_space<hbm>>) target(%dma_start3A_16 : memref<50x32xf32, #tpu.memory_space<vmem>>) offsets(%dma_start3A_19 : memref<50xi32, #tpu.memory_space<vmem>>) semaphore(%arg7 : memref<!tpu.dma_semaphore, #tpu.memory_space<semaphore_mem>>)
      %dma_start3A_23 = arith.constant 1 : i32
      %dma_start3A_24 = arith.constant 1 : i32
      %dma_start3A_25 = arith.constant 0 : i32
      %dma_start3A_26 = arith.constant 0 : i32
      %dma_start3A_27 = tpu.memref_slice %arg6[%dma_start3A_24, %dma_start3A_25, %dma_start3A_26] : memref<16x50x32xf32, #tpu.memory_space<vmem>> -> memref<1x50x32xf32, #tpu.memory_space<vmem>>
      %dma_start3A_28 = tpu.memref_squeeze %dma_start3A_27 : memref<1x50x32xf32, #tpu.memory_space<vmem>> -> memref<50x32xf32, #tpu.memory_space<vmem>>
      %dma_start3A_29 = arith.constant 0 : i32
      %dma_start3A_30 = tpu.memref_slice %arg5[%dma_start3A_23, %dma_start3A_29] : memref<16x50xi32, #tpu.memory_space<vmem>> -> memref<1x50xi32, #tpu.memory_space<vmem>>
      %dma_start3A_31 = tpu.memref_squeeze %dma_start3A_30 : memref<1x50xi32, #tpu.memory_space<vmem>> -> memref<50xi32, #tpu.memory_space<vmem>>
      %dma_start3A_32 = arith.constant 0 : i32
      %dma_start3A_33 = arith.constant 0 : i32
      %dma_start3A_34 = tpu.memref_slice %arg3[%dma_start3A_32, %dma_start3A_33] : memref<1000000x32xf32, #tpu.memory_space<hbm>> -> memref<1000000x32xf32, #tpu.memory_space<hbm>>
      tpu.enqueue_indirect_dma source(%dma_start3A_34 : memref<1000000x32xf32, #tpu.memory_space<hbm>>) target(%dma_start3A_28 : memref<50x32xf32, #tpu.memory_space<vmem>>) offsets(%dma_start3A_31 : memref<50xi32, #tpu.memory_space<vmem>>) semaphore(%arg7 : memref<!tpu.dma_semaphore, #tpu.memory_space<semaphore_mem>>)
      %dma_start3A_35 = arith.constant 2 : i32
      %dma_start3A_36 = arith.constant 2 : i32
      %dma_start3A_37 = arith.constant 0 : i32
      %dma_start3A_38 = arith.constant 0 : i32
      %dma_start3A_39 = tpu.memref_slice %arg6[%dma_start3A_36, %dma_start3A_37, %dma_start3A_38] : memref<16x50x32xf32, #tpu.memory_space<vmem>> -> memref<1x50x32xf32, #tpu.memory_space<vmem>>
      %dma_start3A_40 = tpu.memref_squeeze %dma_start3A_39 : memref<1x50x32xf32, #tpu.memory_space<vmem>> -> memref<50x32xf32, #tpu.memory_space<vmem>>
      %dma_start3A_41 = arith.constant 0 : i32
      %dma_start3A_42 = tpu.memref_slice %arg5[%dma_start3A_35, %dma_start3A_41] : memref<16x50xi32, #tpu.memory_space<vmem>> -> memref<1x50xi32, #tpu.memory_space<vmem>>
      %dma_start3A_43 = tpu.memref_squeeze %dma_start3A_42 : memref<1x50xi32, #tpu.memory_space<vmem>> -> memref<50xi32, #tpu.memory_space<vmem>>
      %dma_start3A_44 = arith.constant 0 : i32
      %dma_start3A_45 = arith.constant 0 : i32
      %dma_start3A_46 = tpu.memref_slice %arg3[%dma_start3A_44, %dma_start3A_45] : memref<1000000x32xf32, #tpu.memory_space<hbm>> -> memref<1000000x32xf32, #tpu.memory_space<hbm>>
      tpu.enqueue_indirect_dma source(%dma_start3A_46 : memref<1000000x32xf32, #tpu.memory_space<hbm>>) target(%dma_start3A_40 : memref<50x32xf32, #tpu.memory_space<vmem>>) offsets(%dma_start3A_43 : memref<50xi32, #tpu.memory_space<vmem>>) semaphore(%arg7 : memref<!tpu.dma_semaphore, #tpu.memory_space<semaphore_mem>>)
      %dma_start3A_47 = arith.constant 3 : i32
      %dma_start3A_48 = arith.constant 3 : i32
      %dma_start3A_49 = arith.constant 0 : i32
      %dma_start3A_50 = arith.constant 0 : i32
      %dma_start3A_51 = tpu.memref_slice %arg6[%dma_start3A_48, %dma_start3A_49, %dma_start3A_50] : memref<16x50x32xf32, #tpu.memory_space<vmem>> -> memref<1x50x32xf32, #tpu.memory_space<vmem>>
      %dma_start3A_52 = tpu.memref_squeeze %dma_start3A_51 : memref<1x50x32xf32, #tpu.memory_space<vmem>> -> memref<50x32xf32, #tpu.memory_space<vmem>>
      %dma_start3A_53 = arith.constant 0 : i32
      %dma_start3A_54 = tpu.memref_slice %arg5[%dma_start3A_47, %dma_start3A_53] : memref<16x50xi32, #tpu.memory_space<vmem>> -> memref<1x50xi32, #tpu.memory_space<vmem>>
      %dma_start3A_55 = tpu.memref_squeeze %dma_start3A_54 : memref<1x50xi32, #tpu.memory_space<vmem>> -> memref<50xi32, #tpu.memory_space<vmem>>
      %dma_start3A_56 = arith.constant 0 : i32
      %dma_start3A_57 = arith.constant 0 : i32
      %dma_start3A_58 = tpu.memref_slice %arg3[%dma_start3A_56, %dma_start3A_57] : memref<1000000x32xf32, #tpu.memory_space<hbm>> -> memref<1000000x32xf32, #tpu.memory_space<hbm>>
      tpu.enqueue_indirect_dma source(%dma_start3A_58 : memref<1000000x32xf32, #tpu.memory_space<hbm>>) target(%dma_start3A_52 : memref<50x32xf32, #tpu.memory_space<vmem>>) offsets(%dma_start3A_55 : memref<50xi32, #tpu.memory_space<vmem>>) semaphore(%arg7 : memref<!tpu.dma_semaphore, #tpu.memory_space<semaphore_mem>>)
      %dma_start3A_59 = arith.constant 4 : i32
      %dma_start3A_60 = arith.constant 4 : i32
      %dma_start3A_61 = arith.constant 0 : i32
      %dma_start3A_62 = arith.constant 0 : i32
      %dma_start3A_63 = tpu.memref_slice %arg6[%dma_start3A_60, %dma_start3A_61, %dma_start3A_62] : memref<16x50x32xf32, #tpu.memory_space<vmem>> -> memref<1x50x32xf32, #tpu.memory_space<vmem>>
      %dma_start3A_64 = tpu.memref_squeeze %dma_start3A_63 : memref<1x50x32xf32, #tpu.memory_space<vmem>> -> memref<50x32xf32, #tpu.memory_space<vmem>>
      %dma_start3A_65 = arith.constant 0 : i32
      %dma_start3A_66 = tpu.memref_slice %arg5[%dma_start3A_59, %dma_start3A_65] : memref<16x50xi32, #tpu.memory_space<vmem>> -> memref<1x50xi32, #tpu.memory_space<vmem>>
      %dma_start3A_67 = tpu.memref_squeeze %dma_start3A_66 : memref<1x50xi32, #tpu.memory_space<vmem>> -> memref<50xi32, #tpu.memory_space<vmem>>
      %dma_start3A_68 = arith.constant 0 : i32
      %dma_start3A_69 = arith.constant 0 : i32
      %dma_start3A_70 = tpu.memref_slice %arg3[%dma_start3A_68, %dma_start3A_69] : memref<1000000x32xf32, #tpu.memory_space<hbm>> -> memref<1000000x32xf32, #tpu.memory_space<hbm>>
      tpu.enqueue_indirect_dma source(%dma_start3A_70 : memref<1000000x32xf32, #tpu.memory_space<hbm>>) target(%dma_start3A_64 : memref<50x32xf32, #tpu.memory_space<vmem>>) offsets(%dma_start3A_67 : memref<50xi32, #tpu.memory_space<vmem>>) semaphore(%arg7 : memref<!tpu.dma_semaphore, #tpu.memory_space<semaphore_mem>>)
      %dma_start3A_71 = arith.constant 5 : i32
      %dma_start3A_72 = arith.constant 5 : i32
      %dma_start3A_73 = arith.constant 0 : i32
      %dma_start3A_74 = arith.constant 0 : i32
      %dma_start3A_75 = tpu.memref_slice %arg6[%dma_start3A_72, %dma_start3A_73, %dma_start3A_74] : memref<16x50x32xf32, #tpu.memory_space<vmem>> -> memref<1x50x32xf32, #tpu.memory_space<vmem>>
      %dma_start3A_76 = tpu.memref_squeeze %dma_start3A_75 : memref<1x50x32xf32, #tpu.memory_space<vmem>> -> memref<50x32xf32, #tpu.memory_space<vmem>>
      %dma_start3A_77 = arith.constant 0 : i32
      %dma_start3A_78 = tpu.memref_slice %arg5[%dma_start3A_71, %dma_start3A_77] : memref<16x50xi32, #tpu.memory_space<vmem>> -> memref<1x50xi32, #tpu.memory_space<vmem>>
      %dma_start3A_79 = tpu.memref_squeeze %dma_start3A_78 : memref<1x50xi32, #tpu.memory_space<vmem>> -> memref<50xi32, #tpu.memory_space<vmem>>
      %dma_start3A_80 = arith.constant 0 : i32
      %dma_start3A_81 = arith.constant 0 : i32
      %dma_start3A_82 = tpu.memref_slice %arg3[%dma_start3A_80, %dma_start3A_81] : memref<1000000x32xf32, #tpu.memory_space<hbm>> -> memref<1000000x32xf32, #tpu.memory_space<hbm>>
      tpu.enqueue_indirect_dma source(%dma_start3A_82 : memref<1000000x32xf32, #tpu.memory_space<hbm>>) target(%dma_start3A_76 : memref<50x32xf32, #tpu.memory_space<vmem>>) offsets(%dma_start3A_79 : memref<50xi32, #tpu.memory_space<vmem>>) semaphore(%arg7 : memref<!tpu.dma_semaphore, #tpu.memory_space<semaphore_mem>>)
      %dma_start3A_83 = arith.constant 6 : i32
      %dma_start3A_84 = arith.constant 6 : i32
      %dma_start3A_85 = arith.constant 0 : i32
      %dma_start3A_86 = arith.constant 0 : i32
      %dma_start3A_87 = tpu.memref_slice %arg6[%dma_start3A_84, %dma_start3A_85, %dma_start3A_86] : memref<16x50x32xf32, #tpu.memory_space<vmem>> -> memref<1x50x32xf32, #tpu.memory_space<vmem>>
      %dma_start3A_88 = tpu.memref_squeeze %dma_start3A_87 : memref<1x50x32xf32, #tpu.memory_space<vmem>> -> memref<50x32xf32, #tpu.memory_space<vmem>>
      %dma_start3A_89 = arith.constant 0 : i32
      %dma_start3A_90 = tpu.memref_slice %arg5[%dma_start3A_83, %dma_start3A_89] : memref<16x50xi32, #tpu.memory_space<vmem>> -> memref<1x50xi32, #tpu.memory_space<vmem>>
      %dma_start3A_91 = tpu.memref_squeeze %dma_start3A_90 : memref<1x50xi32, #tpu.memory_space<vmem>> -> memref<50xi32, #tpu.memory_space<vmem>>
      %dma_start3A_92 = arith.constant 0 : i32
      %dma_start3A_93 = arith.constant 0 : i32
      %dma_start3A_94 = tpu.memref_slice %arg3[%dma_start3A_92, %dma_start3A_93] : memref<1000000x32xf32, #tpu.memory_space<hbm>> -> memref<1000000x32xf32, #tpu.memory_space<hbm>>
      tpu.enqueue_indirect_dma source(%dma_start3A_94 : memref<1000000x32xf32, #tpu.memory_space<hbm>>) target(%dma_start3A_88 : memref<50x32xf32, #tpu.memory_space<vmem>>) offsets(%dma_start3A_91 : memref<50xi32, #tpu.memory_space<vmem>>) semaphore(%arg7 : memref<!tpu.dma_semaphore, #tpu.memory_space<semaphore_mem>>)
      %dma_start3A_95 = arith.constant 7 : i32
      %dma_start3A_96 = arith.constant 7 : i32
      %dma_start3A_97 = arith.constant 0 : i32
      %dma_start3A_98 = arith.constant 0 : i32
      %dma_start3A_99 = tpu.memref_slice %arg6[%dma_start3A_96, %dma_start3A_97, %dma_start3A_98] : memref<16x50x32xf32, #tpu.memory_space<vmem>> -> memref<1x50x32xf32, #tpu.memory_space<vmem>>
      %dma_start3A_100 = tpu.memref_squeeze %dma_start3A_99 : memref<1x50x32xf32, #tpu.memory_space<vmem>> -> memref<50x32xf32, #tpu.memory_space<vmem>>
      %dma_start3A_101 = arith.constant 0 : i32
      %dma_start3A_102 = tpu.memref_slice %arg5[%dma_start3A_95, %dma_start3A_101] : memref<16x50xi32, #tpu.memory_space<vmem>> -> memref<1x50xi32, #tpu.memory_space<vmem>>
      %dma_start3A_103 = tpu.memref_squeeze %dma_start3A_102 : memref<1x50xi32, #tpu.memory_space<vmem>> -> memref<50xi32, #tpu.memory_space<vmem>>
      %dma_start3A_104 = arith.constant 0 : i32
      %dma_start3A_105 = arith.constant 0 : i32
      %dma_start3A_106 = tpu.memref_slice %arg3[%dma_start3A_104, %dma_start3A_105] : memref<1000000x32xf32, #tpu.memory_space<hbm>> -> memref<1000000x32xf32, #tpu.memory_space<hbm>>
      tpu.enqueue_indirect_dma source(%dma_start3A_106 : memref<1000000x32xf32, #tpu.memory_space<hbm>>) target(%dma_start3A_100 : memref<50x32xf32, #tpu.memory_space<vmem>>) offsets(%dma_start3A_103 : memref<50xi32, #tpu.memory_space<vmem>>) semaphore(%arg7 : memref<!tpu.dma_semaphore, #tpu.memory_space<semaphore_mem>>)
      %dma_start3A_107 = arith.constant 8 : i32
      %dma_start3A_108 = arith.constant 8 : i32
      %dma_start3A_109 = arith.constant 0 : i32
      %dma_start3A_110 = arith.constant 0 : i32
      %dma_start3A_111 = tpu.memref_slice %arg6[%dma_start3A_108, %dma_start3A_109, %dma_start3A_110] : memref<16x50x32xf32, #tpu.memory_space<vmem>> -> memref<1x50x32xf32, #tpu.memory_space<vmem>>
      %dma_start3A_112 = tpu.memref_squeeze %dma_start3A_111 : memref<1x50x32xf32, #tpu.memory_space<vmem>> -> memref<50x32xf32, #tpu.memory_space<vmem>>
      %dma_start3A_113 = arith.constant 0 : i32
      %dma_start3A_114 = tpu.memref_slice %arg5[%dma_start3A_107, %dma_start3A_113] : memref<16x50xi32, #tpu.memory_space<vmem>> -> memref<1x50xi32, #tpu.memory_space<vmem>>
      %dma_start3A_115 = tpu.memref_squeeze %dma_start3A_114 : memref<1x50xi32, #tpu.memory_space<vmem>> -> memref<50xi32, #tpu.memory_space<vmem>>
      %dma_start3A_116 = arith.constant 0 : i32
      %dma_start3A_117 = arith.constant 0 : i32
      %dma_start3A_118 = tpu.memref_slice %arg3[%dma_start3A_116, %dma_start3A_117] : memref<1000000x32xf32, #tpu.memory_space<hbm>> -> memref<1000000x32xf32, #tpu.memory_space<hbm>>
      tpu.enqueue_indirect_dma source(%dma_start3A_118 : memref<1000000x32xf32, #tpu.memory_space<hbm>>) target(%dma_start3A_112 : memref<50x32xf32, #tpu.memory_space<vmem>>) offsets(%dma_start3A_115 : memref<50xi32, #tpu.memory_space<vmem>>) semaphore(%arg7 : memref<!tpu.dma_semaphore, #tpu.memory_space<semaphore_mem>>)
      %dma_start3A_119 = arith.constant 9 : i32
      %dma_start3A_120 = arith.constant 9 : i32
      %dma_start3A_121 = arith.constant 0 : i32
      %dma_start3A_122 = arith.constant 0 : i32
      %dma_start3A_123 = tpu.memref_slice %arg6[%dma_start3A_120, %dma_start3A_121, %dma_start3A_122] : memref<16x50x32xf32, #tpu.memory_space<vmem>> -> memref<1x50x32xf32, #tpu.memory_space<vmem>>
      %dma_start3A_124 = tpu.memref_squeeze %dma_start3A_123 : memref<1x50x32xf32, #tpu.memory_space<vmem>> -> memref<50x32xf32, #tpu.memory_space<vmem>>
      %dma_start3A_125 = arith.constant 0 : i32
      %dma_start3A_126 = tpu.memref_slice %arg5[%dma_start3A_119, %dma_start3A_125] : memref<16x50xi32, #tpu.memory_space<vmem>> -> memref<1x50xi32, #tpu.memory_space<vmem>>
      %dma_start3A_127 = tpu.memref_squeeze %dma_start3A_126 : memref<1x50xi32, #tpu.memory_space<vmem>> -> memref<50xi32, #tpu.memory_space<vmem>>
      %dma_start3A_128 = arith.constant 0 : i32
      %dma_start3A_129 = arith.constant 0 : i32
      %dma_start3A_130 = tpu.memref_slice %arg3[%dma_start3A_128, %dma_start3A_129] : memref<1000000x32xf32, #tpu.memory_space<hbm>> -> memref<1000000x32xf32, #tpu.memory_space<hbm>>
      tpu.enqueue_indirect_dma source(%dma_start3A_130 : memref<1000000x32xf32, #tpu.memory_space<hbm>>) target(%dma_start3A_124 : memref<50x32xf32, #tpu.memory_space<vmem>>) offsets(%dma_start3A_127 : memref<50xi32, #tpu.memory_space<vmem>>) semaphore(%arg7 : memref<!tpu.dma_semaphore, #tpu.memory_space<semaphore_mem>>)
      %dma_start3A_131 = arith.constant 10 : i32
      %dma_start3A_132 = arith.constant 10 : i32
      %dma_start3A_133 = arith.constant 0 : i32
      %dma_start3A_134 = arith.constant 0 : i32
      %dma_start3A_135 = tpu.memref_slice %arg6[%dma_start3A_132, %dma_start3A_133, %dma_start3A_134] : memref<16x50x32xf32, #tpu.memory_space<vmem>> -> memref<1x50x32xf32, #tpu.memory_space<vmem>>
      %dma_start3A_136 = tpu.memref_squeeze %dma_start3A_135 : memref<1x50x32xf32, #tpu.memory_space<vmem>> -> memref<50x32xf32, #tpu.memory_space<vmem>>
      %dma_start3A_137 = arith.constant 0 : i32
      %dma_start3A_138 = tpu.memref_slice %arg5[%dma_start3A_131, %dma_start3A_137] : memref<16x50xi32, #tpu.memory_space<vmem>> -> memref<1x50xi32, #tpu.memory_space<vmem>>
      %dma_start3A_139 = tpu.memref_squeeze %dma_start3A_138 : memref<1x50xi32, #tpu.memory_space<vmem>> -> memref<50xi32, #tpu.memory_space<vmem>>
      %dma_start3A_140 = arith.constant 0 : i32
      %dma_start3A_141 = arith.constant 0 : i32
      %dma_start3A_142 = tpu.memref_slice %arg3[%dma_start3A_140, %dma_start3A_141] : memref<1000000x32xf32, #tpu.memory_space<hbm>> -> memref<1000000x32xf32, #tpu.memory_space<hbm>>
      tpu.enqueue_indirect_dma source(%dma_start3A_142 : memref<1000000x32xf32, #tpu.memory_space<hbm>>) target(%dma_start3A_136 : memref<50x32xf32, #tpu.memory_space<vmem>>) offsets(%dma_start3A_139 : memref<50xi32, #tpu.memory_space<vmem>>) semaphore(%arg7 : memref<!tpu.dma_semaphore, #tpu.memory_space<semaphore_mem>>)
      %dma_start3A_143 = arith.constant 11 : i32
      %dma_start3A_144 = arith.constant 11 : i32
      %dma_start3A_145 = arith.constant 0 : i32
      %dma_start3A_146 = arith.constant 0 : i32
      %dma_start3A_147 = tpu.memref_slice %arg6[%dma_start3A_144, %dma_start3A_145, %dma_start3A_146] : memref<16x50x32xf32, #tpu.memory_space<vmem>> -> memref<1x50x32xf32, #tpu.memory_space<vmem>>
      %dma_start3A_148 = tpu.memref_squeeze %dma_start3A_147 : memref<1x50x32xf32, #tpu.memory_space<vmem>> -> memref<50x32xf32, #tpu.memory_space<vmem>>
      %dma_start3A_149 = arith.constant 0 : i32
      %dma_start3A_150 = tpu.memref_slice %arg5[%dma_start3A_143, %dma_start3A_149] : memref<16x50xi32, #tpu.memory_space<vmem>> -> memref<1x50xi32, #tpu.memory_space<vmem>>
      %dma_start3A_151 = tpu.memref_squeeze %dma_start3A_150 : memref<1x50xi32, #tpu.memory_space<vmem>> -> memref<50xi32, #tpu.memory_space<vmem>>
      %dma_start3A_152 = arith.constant 0 : i32
      %dma_start3A_153 = arith.constant 0 : i32
      %dma_start3A_154 = tpu.memref_slice %arg3[%dma_start3A_152, %dma_start3A_153] : memref<1000000x32xf32, #tpu.memory_space<hbm>> -> memref<1000000x32xf32, #tpu.memory_space<hbm>>
      tpu.enqueue_indirect_dma source(%dma_start3A_154 : memref<1000000x32xf32, #tpu.memory_space<hbm>>) target(%dma_start3A_148 : memref<50x32xf32, #tpu.memory_space<vmem>>) offsets(%dma_start3A_151 : memref<50xi32, #tpu.memory_space<vmem>>) semaphore(%arg7 : memref<!tpu.dma_semaphore, #tpu.memory_space<semaphore_mem>>)
      %dma_start3A_155 = arith.constant 12 : i32
      %dma_start3A_156 = arith.constant 12 : i32
      %dma_start3A_157 = arith.constant 0 : i32
      %dma_start3A_158 = arith.constant 0 : i32
      %dma_start3A_159 = tpu.memref_slice %arg6[%dma_start3A_156, %dma_start3A_157, %dma_start3A_158] : memref<16x50x32xf32, #tpu.memory_space<vmem>> -> memref<1x50x32xf32, #tpu.memory_space<vmem>>
      %dma_start3A_160 = tpu.memref_squeeze %dma_start3A_159 : memref<1x50x32xf32, #tpu.memory_space<vmem>> -> memref<50x32xf32, #tpu.memory_space<vmem>>
      %dma_start3A_161 = arith.constant 0 : i32
      %dma_start3A_162 = tpu.memref_slice %arg5[%dma_start3A_155, %dma_start3A_161] : memref<16x50xi32, #tpu.memory_space<vmem>> -> memref<1x50xi32, #tpu.memory_space<vmem>>
      %dma_start3A_163 = tpu.memref_squeeze %dma_start3A_162 : memref<1x50xi32, #tpu.memory_space<vmem>> -> memref<50xi32, #tpu.memory_space<vmem>>
      %dma_start3A_164 = arith.constant 0 : i32
      %dma_start3A_165 = arith.constant 0 : i32
      %dma_start3A_166 = tpu.memref_slice %arg3[%dma_start3A_164, %dma_start3A_165] : memref<1000000x32xf32, #tpu.memory_space<hbm>> -> memref<1000000x32xf32, #tpu.memory_space<hbm>>
      tpu.enqueue_indirect_dma source(%dma_start3A_166 : memref<1000000x32xf32, #tpu.memory_space<hbm>>) target(%dma_start3A_160 : memref<50x32xf32, #tpu.memory_space<vmem>>) offsets(%dma_start3A_163 : memref<50xi32, #tpu.memory_space<vmem>>) semaphore(%arg7 : memref<!tpu.dma_semaphore, #tpu.memory_space<semaphore_mem>>)
      %dma_start3A_167 = arith.constant 13 : i32
      %dma_start3A_168 = arith.constant 13 : i32
      %dma_start3A_169 = arith.constant 0 : i32
      %dma_start3A_170 = arith.constant 0 : i32
      %dma_start3A_171 = tpu.memref_slice %arg6[%dma_start3A_168, %dma_start3A_169, %dma_start3A_170] : memref<16x50x32xf32, #tpu.memory_space<vmem>> -> memref<1x50x32xf32, #tpu.memory_space<vmem>>
      %dma_start3A_172 = tpu.memref_squeeze %dma_start3A_171 : memref<1x50x32xf32, #tpu.memory_space<vmem>> -> memref<50x32xf32, #tpu.memory_space<vmem>>
      %dma_start3A_173 = arith.constant 0 : i32
      %dma_start3A_174 = tpu.memref_slice %arg5[%dma_start3A_167, %dma_start3A_173] : memref<16x50xi32, #tpu.memory_space<vmem>> -> memref<1x50xi32, #tpu.memory_space<vmem>>
      %dma_start3A_175 = tpu.memref_squeeze %dma_start3A_174 : memref<1x50xi32, #tpu.memory_space<vmem>> -> memref<50xi32, #tpu.memory_space<vmem>>
      %dma_start3A_176 = arith.constant 0 : i32
      %dma_start3A_177 = arith.constant 0 : i32
      %dma_start3A_178 = tpu.memref_slice %arg3[%dma_start3A_176, %dma_start3A_177] : memref<1000000x32xf32, #tpu.memory_space<hbm>> -> memref<1000000x32xf32, #tpu.memory_space<hbm>>
      tpu.enqueue_indirect_dma source(%dma_start3A_178 : memref<1000000x32xf32, #tpu.memory_space<hbm>>) target(%dma_start3A_172 : memref<50x32xf32, #tpu.memory_space<vmem>>) offsets(%dma_start3A_175 : memref<50xi32, #tpu.memory_space<vmem>>) semaphore(%arg7 : memref<!tpu.dma_semaphore, #tpu.memory_space<semaphore_mem>>)
      %dma_start3A_179 = arith.constant 14 : i32
      %dma_start3A_180 = arith.constant 14 : i32
      %dma_start3A_181 = arith.constant 0 : i32
      %dma_start3A_182 = arith.constant 0 : i32
      %dma_start3A_183 = tpu.memref_slice %arg6[%dma_start3A_180, %dma_start3A_181, %dma_start3A_182] : memref<16x50x32xf32, #tpu.memory_space<vmem>> -> memref<1x50x32xf32, #tpu.memory_space<vmem>>
      %dma_start3A_184 = tpu.memref_squeeze %dma_start3A_183 : memref<1x50x32xf32, #tpu.memory_space<vmem>> -> memref<50x32xf32, #tpu.memory_space<vmem>>
      %dma_start3A_185 = arith.constant 0 : i32
      %dma_start3A_186 = tpu.memref_slice %arg5[%dma_start3A_179, %dma_start3A_185] : memref<16x50xi32, #tpu.memory_space<vmem>> -> memref<1x50xi32, #tpu.memory_space<vmem>>
      %dma_start3A_187 = tpu.memref_squeeze %dma_start3A_186 : memref<1x50xi32, #tpu.memory_space<vmem>> -> memref<50xi32, #tpu.memory_space<vmem>>
      %dma_start3A_188 = arith.constant 0 : i32
      %dma_start3A_189 = arith.constant 0 : i32
      %dma_start3A_190 = tpu.memref_slice %arg3[%dma_start3A_188, %dma_start3A_189] : memref<1000000x32xf32, #tpu.memory_space<hbm>> -> memref<1000000x32xf32, #tpu.memory_space<hbm>>
      tpu.enqueue_indirect_dma source(%dma_start3A_190 : memref<1000000x32xf32, #tpu.memory_space<hbm>>) target(%dma_start3A_184 : memref<50x32xf32, #tpu.memory_space<vmem>>) offsets(%dma_start3A_187 : memref<50xi32, #tpu.memory_space<vmem>>) semaphore(%arg7 : memref<!tpu.dma_semaphore, #tpu.memory_space<semaphore_mem>>)
      %dma_start3A_191 = arith.constant 15 : i32
      %dma_start3A_192 = arith.constant 15 : i32
      %dma_start3A_193 = arith.constant 0 : i32
      %dma_start3A_194 = arith.constant 0 : i32
      %dma_start3A_195 = tpu.memref_slice %arg6[%dma_start3A_192, %dma_start3A_193, %dma_start3A_194] : memref<16x50x32xf32, #tpu.memory_space<vmem>> -> memref<1x50x32xf32, #tpu.memory_space<vmem>>
      %dma_start3A_196 = tpu.memref_squeeze %dma_start3A_195 : memref<1x50x32xf32, #tpu.memory_space<vmem>> -> memref<50x32xf32, #tpu.memory_space<vmem>>
      %dma_start3A_197 = arith.constant 0 : i32
      %dma_start3A_198 = tpu.memref_slice %arg5[%dma_start3A_191, %dma_start3A_197] : memref<16x50xi32, #tpu.memory_space<vmem>> -> memref<1x50xi32, #tpu.memory_space<vmem>>
      %dma_start3A_199 = tpu.memref_squeeze %dma_start3A_198 : memref<1x50xi32, #tpu.memory_space<vmem>> -> memref<50xi32, #tpu.memory_space<vmem>>
      %dma_start3A_200 = arith.constant 0 : i32
      %dma_start3A_201 = arith.constant 0 : i32
      %dma_start3A_202 = tpu.memref_slice %arg3[%dma_start3A_200, %dma_start3A_201] : memref<1000000x32xf32, #tpu.memory_space<hbm>> -> memref<1000000x32xf32, #tpu.memory_space<hbm>>
      tpu.enqueue_indirect_dma source(%dma_start3A_202 : memref<1000000x32xf32, #tpu.memory_space<hbm>>) target(%dma_start3A_196 : memref<50x32xf32, #tpu.memory_space<vmem>>) offsets(%dma_start3A_199 : memref<50xi32, #tpu.memory_space<vmem>>) semaphore(%arg7 : memref<!tpu.dma_semaphore, #tpu.memory_space<semaphore_mem>>)
      %dma_wait3A = arith.constant 0 : i32
      %dma_wait3A_203 = arith.constant 0 : i32
      %dma_wait3A_204 = arith.constant 0 : i32
      %dma_wait3A_205 = arith.constant 0 : i32
      %dma_wait3A_206 = tpu.memref_slice %arg6[%dma_wait3A_203, %dma_wait3A_204, %dma_wait3A_205] : memref<16x50x32xf32, #tpu.memory_space<vmem>> -> memref<1x50x32xf32, #tpu.memory_space<vmem>>
      %dma_wait3A_207 = tpu.memref_squeeze %dma_wait3A_206 : memref<1x50x32xf32, #tpu.memory_space<vmem>> -> memref<50x32xf32, #tpu.memory_space<vmem>>
      %dma_wait3A_208 = arith.constant 0 : i32
      %dma_wait3A_209 = tpu.memref_slice %arg5[%dma_wait3A, %dma_wait3A_208] : memref<16x50xi32, #tpu.memory_space<vmem>> -> memref<1x50xi32, #tpu.memory_space<vmem>>
      %dma_wait3A_210 = tpu.memref_squeeze %dma_wait3A_209 : memref<1x50xi32, #tpu.memory_space<vmem>> -> memref<50xi32, #tpu.memory_space<vmem>>
      %dma_wait3A_211 = arith.constant 0 : i32
      %dma_wait3A_212 = arith.constant 0 : i32
      %dma_wait3A_213 = tpu.memref_slice %arg3[%dma_wait3A_211, %dma_wait3A_212] : memref<1000000x32xf32, #tpu.memory_space<hbm>> -> memref<1000000x32xf32, #tpu.memory_space<hbm>>
      tpu.wait_indirect_dma semaphore(%arg7 : memref<!tpu.dma_semaphore, #tpu.memory_space<semaphore_mem>>) src(%dma_wait3A_213 : memref<1000000x32xf32, #tpu.memory_space<hbm>>) dst(%dma_wait3A_207 : memref<50x32xf32, #tpu.memory_space<vmem>>)
      %dma_wait3A_214 = arith.constant 1 : i32
      %dma_wait3A_215 = arith.constant 1 : i32
      %dma_wait3A_216 = arith.constant 0 : i32
      %dma_wait3A_217 = arith.constant 0 : i32
      %dma_wait3A_218 = tpu.memref_slice %arg6[%dma_wait3A_215, %dma_wait3A_216, %dma_wait3A_217] : memref<16x50x32xf32, #tpu.memory_space<vmem>> -> memref<1x50x32xf32, #tpu.memory_space<vmem>>
      %dma_wait3A_219 = tpu.memref_squeeze %dma_wait3A_218 : memref<1x50x32xf32, #tpu.memory_space<vmem>> -> memref<50x32xf32, #tpu.memory_space<vmem>>
      %dma_wait3A_220 = arith.constant 0 : i32
      %dma_wait3A_221 = tpu.memref_slice %arg5[%dma_wait3A_214, %dma_wait3A_220] : memref<16x50xi32, #tpu.memory_space<vmem>> -> memref<1x50xi32, #tpu.memory_space<vmem>>
      %dma_wait3A_222 = tpu.memref_squeeze %dma_wait3A_221 : memref<1x50xi32, #tpu.memory_space<vmem>> -> memref<50xi32, #tpu.memory_space<vmem>>
      %dma_wait3A_223 = arith.constant 0 : i32
      %dma_wait3A_224 = arith.constant 0 : i32
      %dma_wait3A_225 = tpu.memref_slice %arg3[%dma_wait3A_223, %dma_wait3A_224] : memref<1000000x32xf32, #tpu.memory_space<hbm>> -> memref<1000000x32xf32, #tpu.memory_space<hbm>>
      tpu.wait_indirect_dma semaphore(%arg7 : memref<!tpu.dma_semaphore, #tpu.memory_space<semaphore_mem>>) src(%dma_wait3A_225 : memref<1000000x32xf32, #tpu.memory_space<hbm>>) dst(%dma_wait3A_219 : memref<50x32xf32, #tpu.memory_space<vmem>>)
      %dma_wait3A_226 = arith.constant 2 : i32
      %dma_wait3A_227 = arith.constant 2 : i32
      %dma_wait3A_228 = arith.constant 0 : i32
      %dma_wait3A_229 = arith.constant 0 : i32
      %dma_wait3A_230 = tpu.memref_slice %arg6[%dma_wait3A_227, %dma_wait3A_228, %dma_wait3A_229] : memref<16x50x32xf32, #tpu.memory_space<vmem>> -> memref<1x50x32xf32, #tpu.memory_space<vmem>>
      %dma_wait3A_231 = tpu.memref_squeeze %dma_wait3A_230 : memref<1x50x32xf32, #tpu.memory_space<vmem>> -> memref<50x32xf32, #tpu.memory_space<vmem>>
      %dma_wait3A_232 = arith.constant 0 : i32
      %dma_wait3A_233 = tpu.memref_slice %arg5[%dma_wait3A_226, %dma_wait3A_232] : memref<16x50xi32, #tpu.memory_space<vmem>> -> memref<1x50xi32, #tpu.memory_space<vmem>>
      %dma_wait3A_234 = tpu.memref_squeeze %dma_wait3A_233 : memref<1x50xi32, #tpu.memory_space<vmem>> -> memref<50xi32, #tpu.memory_space<vmem>>
      %dma_wait3A_235 = arith.constant 0 : i32
      %dma_wait3A_236 = arith.constant 0 : i32
      %dma_wait3A_237 = tpu.memref_slice %arg3[%dma_wait3A_235, %dma_wait3A_236] : memref<1000000x32xf32, #tpu.memory_space<hbm>> -> memref<1000000x32xf32, #tpu.memory_space<hbm>>
      tpu.wait_indirect_dma semaphore(%arg7 : memref<!tpu.dma_semaphore, #tpu.memory_space<semaphore_mem>>) src(%dma_wait3A_237 : memref<1000000x32xf32, #tpu.memory_space<hbm>>) dst(%dma_wait3A_231 : memref<50x32xf32, #tpu.memory_space<vmem>>)
      %dma_wait3A_238 = arith.constant 3 : i32
      %dma_wait3A_239 = arith.constant 3 : i32
      %dma_wait3A_240 = arith.constant 0 : i32
      %dma_wait3A_241 = arith.constant 0 : i32
      %dma_wait3A_242 = tpu.memref_slice %arg6[%dma_wait3A_239, %dma_wait3A_240, %dma_wait3A_241] : memref<16x50x32xf32, #tpu.memory_space<vmem>> -> memref<1x50x32xf32, #tpu.memory_space<vmem>>
      %dma_wait3A_243 = tpu.memref_squeeze %dma_wait3A_242 : memref<1x50x32xf32, #tpu.memory_space<vmem>> -> memref<50x32xf32, #tpu.memory_space<vmem>>
      %dma_wait3A_244 = arith.constant 0 : i32
      %dma_wait3A_245 = tpu.memref_slice %arg5[%dma_wait3A_238, %dma_wait3A_244] : memref<16x50xi32, #tpu.memory_space<vmem>> -> memref<1x50xi32, #tpu.memory_space<vmem>>
      %dma_wait3A_246 = tpu.memref_squeeze %dma_wait3A_245 : memref<1x50xi32, #tpu.memory_space<vmem>> -> memref<50xi32, #tpu.memory_space<vmem>>
      %dma_wait3A_247 = arith.constant 0 : i32
      %dma_wait3A_248 = arith.constant 0 : i32
      %dma_wait3A_249 = tpu.memref_slice %arg3[%dma_wait3A_247, %dma_wait3A_248] : memref<1000000x32xf32, #tpu.memory_space<hbm>> -> memref<1000000x32xf32, #tpu.memory_space<hbm>>
      tpu.wait_indirect_dma semaphore(%arg7 : memref<!tpu.dma_semaphore, #tpu.memory_space<semaphore_mem>>) src(%dma_wait3A_249 : memref<1000000x32xf32, #tpu.memory_space<hbm>>) dst(%dma_wait3A_243 : memref<50x32xf32, #tpu.memory_space<vmem>>)
      %dma_wait3A_250 = arith.constant 4 : i32
      %dma_wait3A_251 = arith.constant 4 : i32
      %dma_wait3A_252 = arith.constant 0 : i32
      %dma_wait3A_253 = arith.constant 0 : i32
      %dma_wait3A_254 = tpu.memref_slice %arg6[%dma_wait3A_251, %dma_wait3A_252, %dma_wait3A_253] : memref<16x50x32xf32, #tpu.memory_space<vmem>> -> memref<1x50x32xf32, #tpu.memory_space<vmem>>
      %dma_wait3A_255 = tpu.memref_squeeze %dma_wait3A_254 : memref<1x50x32xf32, #tpu.memory_space<vmem>> -> memref<50x32xf32, #tpu.memory_space<vmem>>
      %dma_wait3A_256 = arith.constant 0 : i32
      %dma_wait3A_257 = tpu.memref_slice %arg5[%dma_wait3A_250, %dma_wait3A_256] : memref<16x50xi32, #tpu.memory_space<vmem>> -> memref<1x50xi32, #tpu.memory_space<vmem>>
      %dma_wait3A_258 = tpu.memref_squeeze %dma_wait3A_257 : memref<1x50xi32, #tpu.memory_space<vmem>> -> memref<50xi32, #tpu.memory_space<vmem>>
      %dma_wait3A_259 = arith.constant 0 : i32
      %dma_wait3A_260 = arith.constant 0 : i32
      %dma_wait3A_261 = tpu.memref_slice %arg3[%dma_wait3A_259, %dma_wait3A_260] : memref<1000000x32xf32, #tpu.memory_space<hbm>> -> memref<1000000x32xf32, #tpu.memory_space<hbm>>
      tpu.wait_indirect_dma semaphore(%arg7 : memref<!tpu.dma_semaphore, #tpu.memory_space<semaphore_mem>>) src(%dma_wait3A_261 : memref<1000000x32xf32, #tpu.memory_space<hbm>>) dst(%dma_wait3A_255 : memref<50x32xf32, #tpu.memory_space<vmem>>)
      %dma_wait3A_262 = arith.constant 5 : i32
      %dma_wait3A_263 = arith.constant 5 : i32
      %dma_wait3A_264 = arith.constant 0 : i32
      %dma_wait3A_265 = arith.constant 0 : i32
      %dma_wait3A_266 = tpu.memref_slice %arg6[%dma_wait3A_263, %dma_wait3A_264, %dma_wait3A_265] : memref<16x50x32xf32, #tpu.memory_space<vmem>> -> memref<1x50x32xf32, #tpu.memory_space<vmem>>
      %dma_wait3A_267 = tpu.memref_squeeze %dma_wait3A_266 : memref<1x50x32xf32, #tpu.memory_space<vmem>> -> memref<50x32xf32, #tpu.memory_space<vmem>>
      %dma_wait3A_268 = arith.constant 0 : i32
      %dma_wait3A_269 = tpu.memref_slice %arg5[%dma_wait3A_262, %dma_wait3A_268] : memref<16x50xi32, #tpu.memory_space<vmem>> -> memref<1x50xi32, #tpu.memory_space<vmem>>
      %dma_wait3A_270 = tpu.memref_squeeze %dma_wait3A_269 : memref<1x50xi32, #tpu.memory_space<vmem>> -> memref<50xi32, #tpu.memory_space<vmem>>
      %dma_wait3A_271 = arith.constant 0 : i32
      %dma_wait3A_272 = arith.constant 0 : i32
      %dma_wait3A_273 = tpu.memref_slice %arg3[%dma_wait3A_271, %dma_wait3A_272] : memref<1000000x32xf32, #tpu.memory_space<hbm>> -> memref<1000000x32xf32, #tpu.memory_space<hbm>>
      tpu.wait_indirect_dma semaphore(%arg7 : memref<!tpu.dma_semaphore, #tpu.memory_space<semaphore_mem>>) src(%dma_wait3A_273 : memref<1000000x32xf32, #tpu.memory_space<hbm>>) dst(%dma_wait3A_267 : memref<50x32xf32, #tpu.memory_space<vmem>>)
      %dma_wait3A_274 = arith.constant 6 : i32
      %dma_wait3A_275 = arith.constant 6 : i32
      %dma_wait3A_276 = arith.constant 0 : i32
      %dma_wait3A_277 = arith.constant 0 : i32
      %dma_wait3A_278 = tpu.memref_slice %arg6[%dma_wait3A_275, %dma_wait3A_276, %dma_wait3A_277] : memref<16x50x32xf32, #tpu.memory_space<vmem>> -> memref<1x50x32xf32, #tpu.memory_space<vmem>>
      %dma_wait3A_279 = tpu.memref_squeeze %dma_wait3A_278 : memref<1x50x32xf32, #tpu.memory_space<vmem>> -> memref<50x32xf32, #tpu.memory_space<vmem>>
      %dma_wait3A_280 = arith.constant 0 : i32
      %dma_wait3A_281 = tpu.memref_slice %arg5[%dma_wait3A_274, %dma_wait3A_280] : memref<16x50xi32, #tpu.memory_space<vmem>> -> memref<1x50xi32, #tpu.memory_space<vmem>>
      %dma_wait3A_282 = tpu.memref_squeeze %dma_wait3A_281 : memref<1x50xi32, #tpu.memory_space<vmem>> -> memref<50xi32, #tpu.memory_space<vmem>>
      %dma_wait3A_283 = arith.constant 0 : i32
      %dma_wait3A_284 = arith.constant 0 : i32
      %dma_wait3A_285 = tpu.memref_slice %arg3[%dma_wait3A_283, %dma_wait3A_284] : memref<1000000x32xf32, #tpu.memory_space<hbm>> -> memref<1000000x32xf32, #tpu.memory_space<hbm>>
      tpu.wait_indirect_dma semaphore(%arg7 : memref<!tpu.dma_semaphore, #tpu.memory_space<semaphore_mem>>) src(%dma_wait3A_285 : memref<1000000x32xf32, #tpu.memory_space<hbm>>) dst(%dma_wait3A_279 : memref<50x32xf32, #tpu.memory_space<vmem>>)
      %dma_wait3A_286 = arith.constant 7 : i32
      %dma_wait3A_287 = arith.constant 7 : i32
      %dma_wait3A_288 = arith.constant 0 : i32
      %dma_wait3A_289 = arith.constant 0 : i32
      %dma_wait3A_290 = tpu.memref_slice %arg6[%dma_wait3A_287, %dma_wait3A_288, %dma_wait3A_289] : memref<16x50x32xf32, #tpu.memory_space<vmem>> -> memref<1x50x32xf32, #tpu.memory_space<vmem>>
      %dma_wait3A_291 = tpu.memref_squeeze %dma_wait3A_290 : memref<1x50x32xf32, #tpu.memory_space<vmem>> -> memref<50x32xf32, #tpu.memory_space<vmem>>
      %dma_wait3A_292 = arith.constant 0 : i32
      %dma_wait3A_293 = tpu.memref_slice %arg5[%dma_wait3A_286, %dma_wait3A_292] : memref<16x50xi32, #tpu.memory_space<vmem>> -> memref<1x50xi32, #tpu.memory_space<vmem>>
      %dma_wait3A_294 = tpu.memref_squeeze %dma_wait3A_293 : memref<1x50xi32, #tpu.memory_space<vmem>> -> memref<50xi32, #tpu.memory_space<vmem>>
      %dma_wait3A_295 = arith.constant 0 : i32
      %dma_wait3A_296 = arith.constant 0 : i32
      %dma_wait3A_297 = tpu.memref_slice %arg3[%dma_wait3A_295, %dma_wait3A_296] : memref<1000000x32xf32, #tpu.memory_space<hbm>> -> memref<1000000x32xf32, #tpu.memory_space<hbm>>
      tpu.wait_indirect_dma semaphore(%arg7 : memref<!tpu.dma_semaphore, #tpu.memory_space<semaphore_mem>>) src(%dma_wait3A_297 : memref<1000000x32xf32, #tpu.memory_space<hbm>>) dst(%dma_wait3A_291 : memref<50x32xf32, #tpu.memory_space<vmem>>)
      %dma_wait3A_298 = arith.constant 8 : i32
      %dma_wait3A_299 = arith.constant 8 : i32
      %dma_wait3A_300 = arith.constant 0 : i32
      %dma_wait3A_301 = arith.constant 0 : i32
      %dma_wait3A_302 = tpu.memref_slice %arg6[%dma_wait3A_299, %dma_wait3A_300, %dma_wait3A_301] : memref<16x50x32xf32, #tpu.memory_space<vmem>> -> memref<1x50x32xf32, #tpu.memory_space<vmem>>
      %dma_wait3A_303 = tpu.memref_squeeze %dma_wait3A_302 : memref<1x50x32xf32, #tpu.memory_space<vmem>> -> memref<50x32xf32, #tpu.memory_space<vmem>>
      %dma_wait3A_304 = arith.constant 0 : i32
      %dma_wait3A_305 = tpu.memref_slice %arg5[%dma_wait3A_298, %dma_wait3A_304] : memref<16x50xi32, #tpu.memory_space<vmem>> -> memref<1x50xi32, #tpu.memory_space<vmem>>
      %dma_wait3A_306 = tpu.memref_squeeze %dma_wait3A_305 : memref<1x50xi32, #tpu.memory_space<vmem>> -> memref<50xi32, #tpu.memory_space<vmem>>
      %dma_wait3A_307 = arith.constant 0 : i32
      %dma_wait3A_308 = arith.constant 0 : i32
      %dma_wait3A_309 = tpu.memref_slice %arg3[%dma_wait3A_307, %dma_wait3A_308] : memref<1000000x32xf32, #tpu.memory_space<hbm>> -> memref<1000000x32xf32, #tpu.memory_space<hbm>>
      tpu.wait_indirect_dma semaphore(%arg7 : memref<!tpu.dma_semaphore, #tpu.memory_space<semaphore_mem>>) src(%dma_wait3A_309 : memref<1000000x32xf32, #tpu.memory_space<hbm>>) dst(%dma_wait3A_303 : memref<50x32xf32, #tpu.memory_space<vmem>>)
      %dma_wait3A_310 = arith.constant 9 : i32
      %dma_wait3A_311 = arith.constant 9 : i32
      %dma_wait3A_312 = arith.constant 0 : i32
      %dma_wait3A_313 = arith.constant 0 : i32
      %dma_wait3A_314 = tpu.memref_slice %arg6[%dma_wait3A_311, %dma_wait3A_312, %dma_wait3A_313] : memref<16x50x32xf32, #tpu.memory_space<vmem>> -> memref<1x50x32xf32, #tpu.memory_space<vmem>>
      %dma_wait3A_315 = tpu.memref_squeeze %dma_wait3A_314 : memref<1x50x32xf32, #tpu.memory_space<vmem>> -> memref<50x32xf32, #tpu.memory_space<vmem>>
      %dma_wait3A_316 = arith.constant 0 : i32
      %dma_wait3A_317 = tpu.memref_slice %arg5[%dma_wait3A_310, %dma_wait3A_316] : memref<16x50xi32, #tpu.memory_space<vmem>> -> memref<1x50xi32, #tpu.memory_space<vmem>>
      %dma_wait3A_318 = tpu.memref_squeeze %dma_wait3A_317 : memref<1x50xi32, #tpu.memory_space<vmem>> -> memref<50xi32, #tpu.memory_space<vmem>>
      %dma_wait3A_319 = arith.constant 0 : i32
      %dma_wait3A_320 = arith.constant 0 : i32
      %dma_wait3A_321 = tpu.memref_slice %arg3[%dma_wait3A_319, %dma_wait3A_320] : memref<1000000x32xf32, #tpu.memory_space<hbm>> -> memref<1000000x32xf32, #tpu.memory_space<hbm>>
      tpu.wait_indirect_dma semaphore(%arg7 : memref<!tpu.dma_semaphore, #tpu.memory_space<semaphore_mem>>) src(%dma_wait3A_321 : memref<1000000x32xf32, #tpu.memory_space<hbm>>) dst(%dma_wait3A_315 : memref<50x32xf32, #tpu.memory_space<vmem>>)
      %dma_wait3A_322 = arith.constant 10 : i32
      %dma_wait3A_323 = arith.constant 10 : i32
      %dma_wait3A_324 = arith.constant 0 : i32
      %dma_wait3A_325 = arith.constant 0 : i32
      %dma_wait3A_326 = tpu.memref_slice %arg6[%dma_wait3A_323, %dma_wait3A_324, %dma_wait3A_325] : memref<16x50x32xf32, #tpu.memory_space<vmem>> -> memref<1x50x32xf32, #tpu.memory_space<vmem>>
      %dma_wait3A_327 = tpu.memref_squeeze %dma_wait3A_326 : memref<1x50x32xf32, #tpu.memory_space<vmem>> -> memref<50x32xf32, #tpu.memory_space<vmem>>
      %dma_wait3A_328 = arith.constant 0 : i32
      %dma_wait3A_329 = tpu.memref_slice %arg5[%dma_wait3A_322, %dma_wait3A_328] : memref<16x50xi32, #tpu.memory_space<vmem>> -> memref<1x50xi32, #tpu.memory_space<vmem>>
      %dma_wait3A_330 = tpu.memref_squeeze %dma_wait3A_329 : memref<1x50xi32, #tpu.memory_space<vmem>> -> memref<50xi32, #tpu.memory_space<vmem>>
      %dma_wait3A_331 = arith.constant 0 : i32
      %dma_wait3A_332 = arith.constant 0 : i32
      %dma_wait3A_333 = tpu.memref_slice %arg3[%dma_wait3A_331, %dma_wait3A_332] : memref<1000000x32xf32, #tpu.memory_space<hbm>> -> memref<1000000x32xf32, #tpu.memory_space<hbm>>
      tpu.wait_indirect_dma semaphore(%arg7 : memref<!tpu.dma_semaphore, #tpu.memory_space<semaphore_mem>>) src(%dma_wait3A_333 : memref<1000000x32xf32, #tpu.memory_space<hbm>>) dst(%dma_wait3A_327 : memref<50x32xf32, #tpu.memory_space<vmem>>)
      %dma_wait3A_334 = arith.constant 11 : i32
      %dma_wait3A_335 = arith.constant 11 : i32
      %dma_wait3A_336 = arith.constant 0 : i32
      %dma_wait3A_337 = arith.constant 0 : i32
      %dma_wait3A_338 = tpu.memref_slice %arg6[%dma_wait3A_335, %dma_wait3A_336, %dma_wait3A_337] : memref<16x50x32xf32, #tpu.memory_space<vmem>> -> memref<1x50x32xf32, #tpu.memory_space<vmem>>
      %dma_wait3A_339 = tpu.memref_squeeze %dma_wait3A_338 : memref<1x50x32xf32, #tpu.memory_space<vmem>> -> memref<50x32xf32, #tpu.memory_space<vmem>>
      %dma_wait3A_340 = arith.constant 0 : i32
      %dma_wait3A_341 = tpu.memref_slice %arg5[%dma_wait3A_334, %dma_wait3A_340] : memref<16x50xi32, #tpu.memory_space<vmem>> -> memref<1x50xi32, #tpu.memory_space<vmem>>
      %dma_wait3A_342 = tpu.memref_squeeze %dma_wait3A_341 : memref<1x50xi32, #tpu.memory_space<vmem>> -> memref<50xi32, #tpu.memory_space<vmem>>
      %dma_wait3A_343 = arith.constant 0 : i32
      %dma_wait3A_344 = arith.constant 0 : i32
      %dma_wait3A_345 = tpu.memref_slice %arg3[%dma_wait3A_343, %dma_wait3A_344] : memref<1000000x32xf32, #tpu.memory_space<hbm>> -> memref<1000000x32xf32, #tpu.memory_space<hbm>>
      tpu.wait_indirect_dma semaphore(%arg7 : memref<!tpu.dma_semaphore, #tpu.memory_space<semaphore_mem>>) src(%dma_wait3A_345 : memref<1000000x32xf32, #tpu.memory_space<hbm>>) dst(%dma_wait3A_339 : memref<50x32xf32, #tpu.memory_space<vmem>>)
      %dma_wait3A_346 = arith.constant 12 : i32
      %dma_wait3A_347 = arith.constant 12 : i32
      %dma_wait3A_348 = arith.constant 0 : i32
      %dma_wait3A_349 = arith.constant 0 : i32
      %dma_wait3A_350 = tpu.memref_slice %arg6[%dma_wait3A_347, %dma_wait3A_348, %dma_wait3A_349] : memref<16x50x32xf32, #tpu.memory_space<vmem>> -> memref<1x50x32xf32, #tpu.memory_space<vmem>>
      %dma_wait3A_351 = tpu.memref_squeeze %dma_wait3A_350 : memref<1x50x32xf32, #tpu.memory_space<vmem>> -> memref<50x32xf32, #tpu.memory_space<vmem>>
      %dma_wait3A_352 = arith.constant 0 : i32
      %dma_wait3A_353 = tpu.memref_slice %arg5[%dma_wait3A_346, %dma_wait3A_352] : memref<16x50xi32, #tpu.memory_space<vmem>> -> memref<1x50xi32, #tpu.memory_space<vmem>>
      %dma_wait3A_354 = tpu.memref_squeeze %dma_wait3A_353 : memref<1x50xi32, #tpu.memory_space<vmem>> -> memref<50xi32, #tpu.memory_space<vmem>>
      %dma_wait3A_355 = arith.constant 0 : i32
      %dma_wait3A_356 = arith.constant 0 : i32
      %dma_wait3A_357 = tpu.memref_slice %arg3[%dma_wait3A_355, %dma_wait3A_356] : memref<1000000x32xf32, #tpu.memory_space<hbm>> -> memref<1000000x32xf32, #tpu.memory_space<hbm>>
      tpu.wait_indirect_dma semaphore(%arg7 : memref<!tpu.dma_semaphore, #tpu.memory_space<semaphore_mem>>) src(%dma_wait3A_357 : memref<1000000x32xf32, #tpu.memory_space<hbm>>) dst(%dma_wait3A_351 : memref<50x32xf32, #tpu.memory_space<vmem>>)
      %dma_wait3A_358 = arith.constant 13 : i32
      %dma_wait3A_359 = arith.constant 13 : i32
      %dma_wait3A_360 = arith.constant 0 : i32
      %dma_wait3A_361 = arith.constant 0 : i32
      %dma_wait3A_362 = tpu.memref_slice %arg6[%dma_wait3A_359, %dma_wait3A_360, %dma_wait3A_361] : memref<16x50x32xf32, #tpu.memory_space<vmem>> -> memref<1x50x32xf32, #tpu.memory_space<vmem>>
      %dma_wait3A_363 = tpu.memref_squeeze %dma_wait3A_362 : memref<1x50x32xf32, #tpu.memory_space<vmem>> -> memref<50x32xf32, #tpu.memory_space<vmem>>
      %dma_wait3A_364 = arith.constant 0 : i32
      %dma_wait3A_365 = tpu.memref_slice %arg5[%dma_wait3A_358, %dma_wait3A_364] : memref<16x50xi32, #tpu.memory_space<vmem>> -> memref<1x50xi32, #tpu.memory_space<vmem>>
      %dma_wait3A_366 = tpu.memref_squeeze %dma_wait3A_365 : memref<1x50xi32, #tpu.memory_space<vmem>> -> memref<50xi32, #tpu.memory_space<vmem>>
      %dma_wait3A_367 = arith.constant 0 : i32
      %dma_wait3A_368 = arith.constant 0 : i32
      %dma_wait3A_369 = tpu.memref_slice %arg3[%dma_wait3A_367, %dma_wait3A_368] : memref<1000000x32xf32, #tpu.memory_space<hbm>> -> memref<1000000x32xf32, #tpu.memory_space<hbm>>
      tpu.wait_indirect_dma semaphore(%arg7 : memref<!tpu.dma_semaphore, #tpu.memory_space<semaphore_mem>>) src(%dma_wait3A_369 : memref<1000000x32xf32, #tpu.memory_space<hbm>>) dst(%dma_wait3A_363 : memref<50x32xf32, #tpu.memory_space<vmem>>)
      %dma_wait3A_370 = arith.constant 14 : i32
      %dma_wait3A_371 = arith.constant 14 : i32
      %dma_wait3A_372 = arith.constant 0 : i32
      %dma_wait3A_373 = arith.constant 0 : i32
      %dma_wait3A_374 = tpu.memref_slice %arg6[%dma_wait3A_371, %dma_wait3A_372, %dma_wait3A_373] : memref<16x50x32xf32, #tpu.memory_space<vmem>> -> memref<1x50x32xf32, #tpu.memory_space<vmem>>
      %dma_wait3A_375 = tpu.memref_squeeze %dma_wait3A_374 : memref<1x50x32xf32, #tpu.memory_space<vmem>> -> memref<50x32xf32, #tpu.memory_space<vmem>>
      %dma_wait3A_376 = arith.constant 0 : i32
      %dma_wait3A_377 = tpu.memref_slice %arg5[%dma_wait3A_370, %dma_wait3A_376] : memref<16x50xi32, #tpu.memory_space<vmem>> -> memref<1x50xi32, #tpu.memory_space<vmem>>
      %dma_wait3A_378 = tpu.memref_squeeze %dma_wait3A_377 : memref<1x50xi32, #tpu.memory_space<vmem>> -> memref<50xi32, #tpu.memory_space<vmem>>
      %dma_wait3A_379 = arith.constant 0 : i32
      %dma_wait3A_380 = arith.constant 0 : i32
      %dma_wait3A_381 = tpu.memref_slice %arg3[%dma_wait3A_379, %dma_wait3A_380] : memref<1000000x32xf32, #tpu.memory_space<hbm>> -> memref<1000000x32xf32, #tpu.memory_space<hbm>>
      tpu.wait_indirect_dma semaphore(%arg7 : memref<!tpu.dma_semaphore, #tpu.memory_space<semaphore_mem>>) src(%dma_wait3A_381 : memref<1000000x32xf32, #tpu.memory_space<hbm>>) dst(%dma_wait3A_375 : memref<50x32xf32, #tpu.memory_space<vmem>>)
      %dma_wait3A_382 = arith.constant 15 : i32
      %dma_wait3A_383 = arith.constant 15 : i32
      %dma_wait3A_384 = arith.constant 0 : i32
      %dma_wait3A_385 = arith.constant 0 : i32
      %dma_wait3A_386 = tpu.memref_slice %arg6[%dma_wait3A_383, %dma_wait3A_384, %dma_wait3A_385] : memref<16x50x32xf32, #tpu.memory_space<vmem>> -> memref<1x50x32xf32, #tpu.memory_space<vmem>>
      %dma_wait3A_387 = tpu.memref_squeeze %dma_wait3A_386 : memref<1x50x32xf32, #tpu.memory_space<vmem>> -> memref<50x32xf32, #tpu.memory_space<vmem>>
      %dma_wait3A_388 = arith.constant 0 : i32
      %dma_wait3A_389 = tpu.memref_slice %arg5[%dma_wait3A_382, %dma_wait3A_388] : memref<16x50xi32, #tpu.memory_space<vmem>> -> memref<1x50xi32, #tpu.memory_space<vmem>>
      %dma_wait3A_390 = tpu.memref_squeeze %dma_wait3A_389 : memref<1x50xi32, #tpu.memory_space<vmem>> -> memref<50xi32, #tpu.memory_space<vmem>>
      %dma_wait3A_391 = arith.constant 0 : i32
      %dma_wait3A_392 = arith.constant 0 : i32
      %dma_wait3A_393 = tpu.memref_slice %arg3[%dma_wait3A_391, %dma_wait3A_392] : memref<1000000x32xf32, #tpu.memory_space<hbm>> -> memref<1000000x32xf32, #tpu.memory_space<hbm>>
      tpu.wait_indirect_dma semaphore(%arg7 : memref<!tpu.dma_semaphore, #tpu.memory_space<semaphore_mem>>) src(%dma_wait3A_393 : memref<1000000x32xf32, #tpu.memory_space<hbm>>) dst(%dma_wait3A_387 : memref<50x32xf32, #tpu.memory_space<vmem>>)
      "tpu.region"() ({
        %run_scoped3A = tpu.sem_alloc : memref<!tpu.dma_semaphore, #tpu.memory_space<semaphore_mem>>
        %dma_start3A_394 = arith.constant 0 : i32
        %dma_start3A_395 = arith.constant 0 : i32
        %dma_start3A_396 = tpu.memref_slice %arg4[%add3A_11, %dma_start3A_394, %dma_start3A_395] : memref<16384x50x32xf32, #tpu.memory_space<hbm>> -> memref<16x50x32xf32, #tpu.memory_space<hbm>>
        %dma_start3A_397 = arith.constant 0 : i32
        %dma_start3A_398 = arith.constant 0 : i32
        %dma_start3A_399 = tpu.memref_slice %arg4[%add3A_11, %dma_start3A_397, %dma_start3A_398] : memref<16384x50x32xf32, #tpu.memory_space<hbm>> -> memref<16x50x32xf32, #tpu.memory_space<hbm>>
        tpu.enqueue_dma source(%arg6 : memref<16x50x32xf32, #tpu.memory_space<vmem>>) target(%dma_start3A_399 : memref<16x50x32xf32, #tpu.memory_space<hbm>>) target_semaphore(%run_scoped3A : memref<!tpu.dma_semaphore, #tpu.memory_space<semaphore_mem>>)
        %dma_wait3A_400 = arith.constant 0 : i32
        %dma_wait3A_401 = arith.constant 0 : i32
        %dma_wait3A_402 = tpu.memref_slice %arg4[%add3A_11, %dma_wait3A_400, %dma_wait3A_401] : memref<16384x50x32xf32, #tpu.memory_space<hbm>> -> memref<16x50x32xf32, #tpu.memory_space<hbm>>
        %dma_wait3A_403 = arith.constant 0 : i32
        %dma_wait3A_404 = arith.constant 0 : i32
        %dma_wait3A_405 = tpu.memref_slice %arg4[%add3A_11, %dma_wait3A_403, %dma_wait3A_404] : memref<16384x50x32xf32, #tpu.memory_space<hbm>> -> memref<16x50x32xf32, #tpu.memory_space<hbm>>
        tpu.wait_dma2 semaphore(%run_scoped3A : memref<!tpu.dma_semaphore, #tpu.memory_space<semaphore_mem>>) src(%arg6 : memref<16x50x32xf32, #tpu.memory_space<vmem>>) dst(%dma_wait3A_405 : memref<16x50x32xf32, #tpu.memory_space<hbm>>)
        tpu.yield
      }) : () -> ()
    }
    %scan3A_7 = arith.constant 32 : i32
    return
  }
}

</mosaic_0001>

<sc_bundles>
// kernel: kernel.3.cloned.1.call-start
scs
__scs_entry_jumppad:
0x0: {  	(pc) =	sbr.rel $0x88, $3  }
0x1: {  	(tag) =	ssettag $0x0;
	lr =	simm.s32 $0x1  }
0x2: {  	[smem:$0x3F9F] =	sst lr;
	_ =	strace $0xD0000000  }
0x3: {  	_ = 	snop  }
0x4: {  	_ = 	snop  }
0x5: {  	_ = 	snop  }
0x6: {  	_ = 	snop  }
0x7: {  	_ = 	snop  }
__scs_overlays_trampoline_lowered:
0x8: {  	[smem:$0x3FAE] =	sst s0  }
0x9: {  	[smem:$0x3FAF] =	sst s1  }
0xa: {  	[smem:$0x3FB0] =	sst s2  }
0xb: {  	[smem:$0x3FB1] =	sst s3  }
0xc: {  	[smem:$0x3FB2] =	sst s4  }
0xd: {  	[smem:$0x3FB3] =	sst s5  }
0xe: {  	[smem:$0x3FB4] =	sst s6  }
0xf: {  	[smem:$0x3FB5] =	sst s7  }
0x10: {  	[smem:$0x3FB6] =	sst s8  }
0x11: {  	[smem:$0x3FB7] =	sst s9;
	s0 =	simm.s32 @!p0 $0x0  }
0x12: {  	s1 =	sld [smem:$0x3F9D];
	s0 =	simm.s32 @p0 $0x1  }
0x13: {  	[smem:$0x3FB8] =	sst s0;
	s0 =	simm.s32 @!p1 $0x0  }
0x14: {  	s2 =	sld [smem:$0x3F9C];
	s0 =	simm.s32 @p1 $0x1  }
0x15: {  	[smem:$0x3FB9] =	sst s0;
	s0 =	simm.s32 @!p2 $0x0  }
0x16: {  	s3 =	sld [smem:$0x3FDB];
	s0 =	simm.s32 @p2 $0x1  }
0x17: {  	s4 =	simm.s32 $0x1BF5;
	[smem:$0x3FBB] =	sst s0  }
0x18: {  	s0 =	sld [smem:$0x3F9E];
	_ =	swait.ge [sflag:s4], $0x0  }
0x19: {  	s7 =	sld [smem:$0x3F9F]  }
0x1a: {  	s8 =	sadd.s32 $0xFFFFE003, lr  }
0x1b: {  	s9 =	sadd.s32 $0xFFFFFEF7, lr;
	s5 =	simm.s32 $0xFFFFFFFF;
	p2 =	slt.u32 s8, $0xFFFFF086  }
0x1c: {  	p1 =	slt.u32 s9, $0xF7A;
	s5 =	simm.s32 @!p2 $0x0  }
0x1d: {  	s5 =	simm.s32 @p1 $0x1;
	p0 =	seq.s32 s7, s2  }
0x1e: {  	s7 =	smul.u32 @!p0 $0xF7A, s2;
	p2 =	seq.s32 @!p0 s5, $0x0  }
0x1f: {  	s9 =	smul.u32 $0xF7A, s1;
	s8 =	simm.s32 @!p0 $0x1BF5;
	p2 =	por !p2, p0  }
0x20: {  	[sflag:s8] =	ssyncset.s32 @!p0 $0xFFFFF086;
	s6 =	sadd.s32 @!p0 s3, s7;
	s7 =	simm.s32 @!p0 $0x108  }
0x21: {  	s3 =	sadd.s32 s3, s9;
	s6 =	sadd.s32 @!p0 $0x88, s6;
	s7 =	simm.s32 @p2 $0x1082  }
0x22: {  	[simem:s7], [sflag:s8] =	dma.local @!p0 [hbm:s6], $0xF7A  }
0x23: {  	s9 =	sor.u32 $0xD0000000, s2;
	s6 =	simm.s32 $0x108;
	_ =	swait.ge @!p0 [sflag:s8], $0x0  }
0x24: {  	s3 =	sadd.s32 $0x88, s3;
	s6 =	simm.s32 @!p1 $0x1082;
	[sflag:s4] =	ssyncset.s32 $0xFFFFF086  }
0x25: {  	[simem:s6], [sflag:s4] =	dma.local [hbm:s3], $0xF7A  }
0x26: {  	[smem:$0x3F9F] =	sst s1;
	(tag) =	ssettag s2;
	_ =	strace s9  }
0x27: {  	s1 =	sld [smem:$0x3FAF]  }
0x28: {  	s2 =	sld [smem:$0x3FB0]  }
0x29: {  	s4 =	sld [smem:$0x3FB2]  }
0x2a: {  	p0 =	seq.s32 s5, $0x0;
	s5 =	sld [smem:$0x3FB3]  }
0x2b: {  	s6 =	sld [smem:$0x3FB4]  }
0x2c: {  	s7 =	sld [smem:$0x3FB5]  }
0x2d: {  	s3 =	simm.s32 $0x108;
	s8 =	sld [smem:$0x3FB6]  }
0x2e: {  	s3 =	simm.s32 @!p0 $0x1082;
	s9 =	sld [smem:$0x3FB7]  }
0x2f: {  	lr =	sadd.s32 s0, s3;
	s0 =	sld [smem:$0x3FAE]  }
0x30: {  	s3 =	sld [smem:$0x3FB1]  }
0x31: {  	[smem:$0x3FBA] =	sst s10  }
0x32: {  	s10 =	sld [smem:$0x3FB8];
	_ =	sdelay $0x3  }
0x33: {  	p0 =	seq.s32 s10, $0x1;
	s10 =	sld [smem:$0x3FBA];
	_ =	sdelay $0x3  }
0x34: {  	[smem:$0x3FBA] =	sst s10  }
0x35: {  	s10 =	sld [smem:$0x3FB9];
	_ =	sdelay $0x3  }
0x36: {  	p1 =	seq.s32 s10, $0x1;
	s10 =	sld [smem:$0x3FBA];
	_ =	sdelay $0x3  }
0x37: {  	[smem:$0x3FBA] =	sst s10  }
0x38: {  	s10 =	sld [smem:$0x3FBB]  }
0x39: {  	_ = 	snop;
	(pc) =	sbr.ind lr, $3  }
0x3a: {  	_ = 	snop  }
0x3b: {  	_ = 	snop  }
0x3c: {  	p2 =	seq.s32 s10, $0x1;
	s10 =	sld [smem:$0x3FBA]  }
0x3d: {  	_ =	shalt  }
0x3e: {  	_ =	shalt  }
0x3f: {  	_ =	shalt  }
0x40: {  	_ =	shalt  }
0x41: {  	_ =	shalt  }
0x42: {  	_ =	shalt  }
0x43: {  	_ =	shalt  }
0x44: {  	_ =	shalt  }
0x45: {  	_ =	shalt  }
0x46: {  	_ =	shalt  }
0x47: {  	_ =	shalt  }
0x48: {  	_ =	shalt  }
0x49: {  	_ =	shalt  }
0x4a: {  	_ =	shalt  }
0x4b: {  	_ =	shalt  }
0x4c: {  	_ =	shalt  }
0x4d: {  	_ =	shalt  }
0x4e: {  	_ =	shalt  }
0x4f: {  	_ =	shalt  }
0x50: {  	_ =	shalt  }
0x51: {  	_ =	shalt  }
0x52: {  	_ =	shalt  }
0x53: {  	_ =	shalt  }
0x54: {  	_ =	shalt  }
0x55: {  	_ =	shalt  }
0x56: {  	_ =	shalt  }
0x57: {  	_ =	shalt  }
0x58: {  	_ =	shalt  }
0x59: {  	_ =	shalt  }
0x5a: {  	_ =	shalt  }
0x5b: {  	_ =	shalt  }
0x5c: {  	_ =	shalt  }
0x5d: {  	_ =	shalt  }
0x5e: {  	_ =	shalt  }
0x5f: {  	_ =	shalt  }
0x60: {  	_ =	shalt  }
0x61: {  	_ =	shalt  }
0x62: {  	_ =	shalt  }
0x63: {  	_ =	shalt  }
0x64: {  	_ =	shalt  }
0x65: {  	_ =	shalt  }
0x66: {  	_ =	shalt  }
0x67: {  	_ =	shalt  }
0x68: {  	_ =	shalt  }
0x69: {  	_ =	shalt  }
0x6a: {  	_ =	shalt  }
0x6b: {  	_ =	shalt  }
0x6c: {  	_ =	shalt  }
0x6d: {  	_ =	shalt  }
0x6e: {  	_ =	shalt  }
0x6f: {  	_ =	shalt  }
0x70: {  	_ =	shalt  }
0x71: {  	_ =	shalt  }
0x72: {  	_ =	shalt  }
0x73: {  	_ =	shalt  }
0x74: {  	_ =	shalt  }
0x75: {  	_ =	shalt  }
0x76: {  	_ =	shalt  }
0x77: {  	_ =	shalt  }
0x78: {  	_ =	shalt  }
0x79: {  	_ =	shalt  }
0x7a: {  	_ =	shalt  }
0x7b: {  	_ =	shalt  }
0x7c: {  	_ =	shalt  }
0x7d: {  	_ =	shalt  }
0x7e: {  	_ =	shalt  }
0x7f: {  	_ =	shalt  }
0x80: {  	_ =	shalt  }
0x81: {  	_ =	shalt  }
0x82: {  	_ =	shalt  }
0x83: {  	_ =	shalt  }
0x84: {  	_ =	shalt  }
0x85: {  	_ =	shalt  }
0x86: {  	_ =	shalt  }
0x87: {  	_ =	shalt  }
.Lfunc_end0:
.L_simem_size_0:
called_computation.1_lowered:
.L_overlay_start_0:
0x88: {  	s2 =	sld [smem:$0x3FD9]  }
0x89: {  	s3 =	sld [smem:$0x3FFE];
	_ =	sdelay $0x1  }
0x8a: {  	s1 =	srdreg.scid  }
0x8b: {  	s0 =	sand.u32 $0x1, s1  }
0x8c: {  	s17 =	sshll.u32 s0, $0xA;
	s2 =	sadd.s32 s3, s2  }
0x8d: {  	s2 =	sadd.s32 s2, s17  }
0x8e: {  	[smem:$0x3FC6] =	sst s2  }
0x8f: {  	_ = 	snop  }
0x90: {  	s2 =	sld [smem:$0x3FD0];
	(tm) =	ssettm $0x1  }
0x91: {  	s18 =	sld [smem:$0x3FFB];
	_ =	sdelay $0x3  }
0x92: {  	_ =	strace s18  }
0x93: {  	s3 =	sld [smem:$0x3FFC];
	_ =	sdelay $0x3  }
0x94: {  	_ =	strace s3  }
0x95: {  	s3 =	sld [smem:$0x3FFD];
	_ =	sdelay $0x3  }
0x96: {  	_ =	strace s3  }
0x97: {  	_ =	strace $0x8FFFFFFF  }
0x98: {  	s19 =	sld [smem:$0x3FDB];
	_ =	sdelay $0x1  }
0x99: {  	s4 =	simm.s32 $_scs_section_size  }
0x9a: {  	s5 =	simm.s32 $_size__tile_overlayer_lowered;
	s6 =	simm.s32 $_tile_overlayer_lowered  }
0x9b: {  	s22 =	simm.s32 $0x1BFF;
	s21 =	sshll.u32 s6, $0x1;
	s3 =	sadd.s32 s4, s19  }
0x9c: {  	s7 =	simm.s32 $0x0;
	s20 =	sshll.u32 s5, $0x1;
	s5 =	sadd.s32 s21, s3  }
0x9d: {  	[timem:s7], [sflag:s22] =	dma.local [hbm:s5], s20  }
0x9e: {  	_ =	swait.ge [sflag:s22], s20  }
0x9f: {  	s4 =	ssub.s32 $0x0, s20;
	[sflag:s22] =	ssyncset.done $0x0  }
0xa0: {  	[sflag:s22] =	ssyncadd.s32 s4;
	_ =	sdelay $0x1  }
0xa1: {  	s23 =	simm.s32 $0x1B8B  }
0xa2: {  	_ =	swait.ge [sflag:s23], $0x1  }
0xa3: {  	[sflag:s23] =	ssyncset.done $0x0  }
0xa4: {  	s25 =	simm.s32 $0x1B8E;
	s24 =	sld [smem:$0x3FFE];
	[sflag:s23] =	ssyncadd.s32 $0xFFFFFFFF  }
0xa5: {  	s26 =	simm.s32 $execute0_lowered;
	[smem:$0x3FD2] =	sst s25  }
0xa6: {  	s5 =	sshll.u32 s26, $0x1;
	_ =	strace $0x80000046;
	[dreg:$0x1] =	wrdreg $0xFFFFFFFF  }
0xa7: {  	s28 =	simm.s32 $_size_execute0_lowered;
	s3 =	sadd.s32 s3, s5;
	[dreg:$0x0] =	wrdreg $0x0  }
0xa8: {  	s5 =	sshll.u32 s28, $0x1;
	[dreg:$0x2] =	wrdreg s3  }
0xa9: {  	[dreg:$0x3] =	wrdreg s5  }
0xaa: {  	[dreg:$0x4] =	wrdreg $0xC0  }
0xab: {  	_ =	task [dreg:s7], $0x5FFFF  }
0xac: {  	[dreg:$0x1] =	wrdreg $0xFFFFFFFF  }
0xad: {  	[dreg:$0x0] =	wrdreg $0x60  }
0xae: {  	[dreg:$0x2] =	wrdreg s24  }
0xaf: {  	[dreg:$0x3] =	wrdreg s2  }
0xb0: {  	[dreg:$0x4] =	wrdreg $0x9  }
0xb1: {  	_ =	task.clear_ibuf [dreg:s7], $0x5FFFF;
	_ =	strace $0x90000046  }
0xb2: {  	s29 =	simm.s32 $0x9;
	_ =	strace $0x80000048  }
0xb3: {  	_ =	swait.ge [sflag:s29], $0x1  }
0xb4: {  	[sflag:s29] =	ssyncadd.s32 $0xFFFFFFFF  }
0xb5: {  	_ =	strace $0x90000048  }
0xb6: {  	_ =	sfence  }
0xb7: {  	s30 =	sld [smem:$0x0];
	_ =	sdelay $0x2  }
0xb8: {  	s31 =	sshll.u32 s1, $0xD;
	s1 =	sshrl.u32 s1, $0x2  }
0xb9: {  	s3 =	sand.u32 $0x4000, s31;
	s1 =	sadd.s32 s1, s30  }
0xba: {  	s0 =	sor.u32 s3, s0;
	s1 =	sshll.u32 s1, $0x11  }
0xbb: {  	s0 =	sor.u32 s1, s0  }
0xbc: {  	s0 =	sadd.s32 $0x8F2B, s0  }
0xbd: {  	[sflag:s0] =	ssyncadd.remote.s32 $0x1  }
0xbe: {  	_ =	sfence.sel $0xFFFF  }
0xbf: {  	[dreg:$0x0] =	wrdreg $0xFFFFFFFF;
	(pc) =	sbr.abs _section_cstart, $3  }
0xc0: {  	[dreg:$0x1] =	wrdreg $0xFFFFFFFF  }
0xc1: {  	_ =	task.clear_ibuf [dreg:s7], $0x2FFFF;
	_ =	strace $0x9FFFFFFF  }
0xc2: {  	(tm) =	ssettm $0x7FFFFFFF  }
0xc3: {  	_ =	shalt  }
tec
execute0_lowered:
.L_overlay_start_1:
0x0: {  	(tag) =	ssettag $0x1  }
0x1: {  	s0 =	rddreg [dreg:$0x0];
	s7 =	stileid.u32  }
0x2: {  	s1 =	srdreg.scid;
	s4 =	rddreg [dreg:$0x1]  }
0x3: {  	s2 =	simm.s32 $0x0;
	s17 =	simm.s32 $0x38;
	s18 =	simm.s32 $0x9C0  }
0x4: {  	s19 =	simm.s32 $0x70;
	s20 =	simm.s32 $0x1000;
	s22 =	simm.s32 $0xA8  }
0x5: {  	s23 =	simm.s32 $0x1640;
	s24 =	simm.s32 $0xE0;
	s25 =	simm.s32 $0x1C80  }
0x6: {  	s26 =	simm.s32 $0x118;
	s31 =	simm.s32 $0x22C0;
	[smem:$0x7FF] =	sst s2  }
0x7: {  	s8 =	simm.s32 $0x380;
	_ =	strace $0x80000047;
	[dreg:$0x4] =	wrdreg s17  }
0x8: {  	s9 =	simm.s32 $0x150;
	s10 =	simm.s32 $0x2900;
	[dreg:$0x5] =	wrdreg s18  }
0x9: {  	s11 =	simm.s32 $0x188;
	s12 =	simm.s32 $0x2F40;
	[dreg:$0x6] =	wrdreg s19  }
0xa: {  	s13 =	simm.s32 $0x1C0;
	s14 =	simm.s32 $0x3580;
	[dreg:$0x7] =	wrdreg s20  }
0xb: {  	s28 =	simm.s32 $0x348;
	s29 =	simm.s32 $0x6140;
	[dreg:$0x8] =	wrdreg s22  }
0xc: {  	s30 =	simm.s32 $0x1;
	s3 =	smul.u32 $0x1C00, s7;
	[dreg:$0x9] =	wrdreg s23  }
0xd: {  	s1 =	sand.u32 $0x1, s1;
	s21 =	smul.u32 $0x32000, s7;
	[dreg:$0xa] =	wrdreg s24  }
0xe: {  	s7 =	simm.s32 $0x32;
	s5 =	smul.u32 $0xE00, s1;
	[dreg:$0xb] =	wrdreg s25  }
0xf: {  	s16 =	ssub.s32 $0x2, s1;
	s1 =	smul.u32 $0x19000, s1;
	[dreg:$0xc] =	wrdreg s26  }
0x10: {  	[dreg:$0xd] =	wrdreg s31;
	s17 =	simm.s32 $0x230;
	s18 =	simm.s32 $0x4200  }
0x11: {  	s19 =	simm.s32 $0x268;
	s20 =	simm.s32 $0x4840;
	s22 =	simm.s32 $0x4E80  }
0x12: {  	s23 =	simm.s32 $0x2D8;
	s24 =	simm.s32 $0x54C0;
	s25 =	simm.s32 $0x310  }
0x13: {  	s26 =	simm.s32 $0x5B00;
	s3 =	sadd.s32 s3, s0;
	s6 =	sshrl.u32 s16, $0x1  }
0x14: {  	s4 =	sadd.s32 s21, s4;
	s21 =	simm.s32 $0x2A0;
	s5 =	sadd.s32 s5, s3  }
0x15: {  	s3 =	sadd.s32 $0xF42E00, s0;
	s1 =	sadd.s32 s1, s4;
	s15 =	sadd.s32 $0xA00, s5  }
0x16: {  	s5 =	ssub.s32 s16, s6;
	[dreg:$0xf] =	wrdreg s1;
	s6 =	simm.s32 $0x2  }
0x17: {  	s16 =	simm.s32 $0x3BC0;
	[dreg:$0x3] =	wrdreg s15;
	s5 =	smax.u32 s5, $0x1  }
0x18: {  	s1 =	simm.s32 $0x0;
	s15 =	simm.s32 $0x1F8;
	[dreg:$0xe] =	wrdreg s5  }
.LBB2_1:
0x19: {  	s0 =	rddreg [dreg:$0x3]  }
0x1a: {  	[dreg:$0x10] =	wrdreg s1;
	s0 =	sadd.s32 $0x0, s0  }
0x1b: {  	[tilespmem:s2], [sflag:$0x2] =	stream.linear.gather [hbm4b:s0+s2], $0x380, $0x38;
	[tilespmem:$0x6780] =	vst v63  }
0x1c: {  	_ =	swait.ge [sflag:s6], $0x380  }
0x1d: {  	s0 =	rddreg [dreg:$0x6]  }
0x1e: {  	[sflag:s6] =	ssyncset.done $0x0;
	s31 =	rddreg [dreg:$0x4]  }
0x1f: {  	s5 =	rddreg [dreg:$0x5];
	[sflag:s6] =	ssyncadd.s32 $0xFFFFFC80  }
0x20: {  	[tilespmem:s8], [sflag:$0x1] =	stream.indirect.gather [hbm4b:s3+s7], $0x20, s2, s7, $0xb8;
	[tilespmem:$0x6780] =	vst v63  }
0x21: {  	s4 =	rddreg [dreg:$0x7]  }
0x22: {  	[tilespmem:s5], [sflag:$0x1] =	stream.indirect.gather [hbm4b:s3+s7], $0x20, s31, s7, $0xb8;
	[tilespmem:$0x6780] =	vst v63  }
0x23: {  	s5 =	rddreg [dreg:$0x8]  }
0x24: {  	s31 =	rddreg [dreg:$0x9]  }
0x25: {  	[tilespmem:s4], [sflag:$0x1] =	stream.indirect.gather [hbm4b:s3+s7], $0x20, s0, s7, $0xb8;
	[tilespmem:$0x6780] =	vst v63  }
0x26: {  	s0 =	rddreg [dreg:$0xb]  }
0x27: {  	s4 =	rddreg [dreg:$0xa]  }
0x28: {  	[tilespmem:s31], [sflag:$0x1] =	stream.indirect.gather [hbm4b:s3+s7], $0x20, s5, s7, $0xb8;
	[tilespmem:$0x6780] =	vst v63  }
0x29: {  	s5 =	rddreg [dreg:$0xd]  }
0x2a: {  	[tilespmem:s0], [sflag:$0x1] =	stream.indirect.gather [hbm4b:s3+s7], $0x20, s4, s7, $0xb8;
	[tilespmem:$0x6780] =	vst v63  }
0x2b: {  	s31 =	rddreg [dreg:$0xc]  }
0x2c: {  	[tilespmem:s5], [sflag:$0x1] =	stream.indirect.gather [hbm4b:s3+s7], $0x20, s31, s7, $0xb8;
	[tilespmem:$0x6780] =	vst v63  }
0x2d: {  	_ = 	snop  }
0x2e: {  	[tilespmem:s10], [sflag:$0x1] =	stream.indirect.gather [hbm4b:s3+s7], $0x20, s9, s7, $0xb8;
	[tilespmem:$0x6780] =	vst v63  }
0x2f: {  	_ = 	snop  }
0x30: {  	[tilespmem:s12], [sflag:$0x1] =	stream.indirect.gather [hbm4b:s3+s7], $0x20, s11, s7, $0xb8;
	[tilespmem:$0x6780] =	vst v63  }
0x31: {  	_ = 	snop  }
0x32: {  	[tilespmem:s14], [sflag:$0x1] =	stream.indirect.gather [hbm4b:s3+s7], $0x20, s13, s7, $0xb8;
	[tilespmem:$0x6780] =	vst v63  }
0x33: {  	_ = 	snop  }
0x34: {  	[tilespmem:s16], [sflag:$0x1] =	stream.indirect.gather [hbm4b:s3+s7], $0x20, s15, s7, $0xb8;
	[tilespmem:$0x6780] =	vst v63  }
0x35: {  	_ = 	snop  }
0x36: {  	[tilespmem:s18], [sflag:$0x1] =	stream.indirect.gather [hbm4b:s3+s7], $0x20, s17, s7, $0xb8;
	[tilespmem:$0x6780] =	vst v63  }
0x37: {  	_ = 	snop  }
0x38: {  	[tilespmem:s20], [sflag:$0x1] =	stream.indirect.gather [hbm4b:s3+s7], $0x20, s19, s7, $0xb8;
	[tilespmem:$0x6780] =	vst v63  }
0x39: {  	_ = 	snop  }
0x3a: {  	[tilespmem:s22], [sflag:$0x1] =	stream.indirect.gather [hbm4b:s3+s7], $0x20, s21, s7, $0xb8;
	[tilespmem:$0x6780] =	vst v63  }
0x3b: {  	_ = 	snop  }
0x3c: {  	[tilespmem:s24], [sflag:$0x1] =	stream.indirect.gather [hbm4b:s3+s7], $0x20, s23, s7, $0xb8;
	[tilespmem:$0x6780] =	vst v63  }
0x3d: {  	_ = 	snop  }
0x3e: {  	[tilespmem:s26], [sflag:$0x1] =	stream.indirect.gather [hbm4b:s3+s7], $0x20, s25, s7, $0xb8;
	[tilespmem:$0x6780] =	vst v63  }
0x3f: {  	_ = 	snop  }
0x40: {  	[tilespmem:s29], [sflag:$0x1] =	stream.indirect.gather [hbm4b:s3+s7], $0x20, s28, s7, $0xb8;
	[tilespmem:$0x6780] =	vst v63  }
0x41: {  	_ =	swait.ge [sflag:s30], $0x640  }
0x42: {  	[sflag:s30] =	ssyncset.done $0x0  }
0x43: {  	[sflag:s30] =	ssyncadd.s32 $0xFFFFF9C0  }
0x44: {  	_ =	swait.ge [sflag:s30], $0x640  }
0x45: {  	[sflag:s30] =	ssyncset.done $0x0  }
0x46: {  	[sflag:s30] =	ssyncadd.s32 $0xFFFFF9C0  }
0x47: {  	_ =	swait.ge [sflag:s30], $0x640  }
0x48: {  	[sflag:s30] =	ssyncset.done $0x0  }
0x49: {  	[sflag:s30] =	ssyncadd.s32 $0xFFFFF9C0  }
0x4a: {  	_ =	swait.ge [sflag:s30], $0x640  }
0x4b: {  	[sflag:s30] =	ssyncset.done $0x0  }
0x4c: {  	[sflag:s30] =	ssyncadd.s32 $0xFFFFF9C0  }
0x4d: {  	_ =	swait.ge [sflag:s30], $0x640  }
0x4e: {  	[sflag:s30] =	ssyncset.done $0x0  }
0x4f: {  	[sflag:s30] =	ssyncadd.s32 $0xFFFFF9C0  }
0x50: {  	_ =	swait.ge [sflag:s30], $0x640  }
0x51: {  	[sflag:s30] =	ssyncset.done $0x0  }
0x52: {  	[sflag:s30] =	ssyncadd.s32 $0xFFFFF9C0  }
0x53: {  	_ =	swait.ge [sflag:s30], $0x640  }
0x54: {  	[sflag:s30] =	ssyncset.done $0x0  }
0x55: {  	[sflag:s30] =	ssyncadd.s32 $0xFFFFF9C0  }
0x56: {  	_ =	swait.ge [sflag:s30], $0x640  }
0x57: {  	[sflag:s30] =	ssyncset.done $0x0  }
0x58: {  	[sflag:s30] =	ssyncadd.s32 $0xFFFFF9C0  }
0x59: {  	_ =	swait.ge [sflag:s30], $0x640  }
0x5a: {  	[sflag:s30] =	ssyncset.done $0x0  }
0x5b: {  	[sflag:s30] =	ssyncadd.s32 $0xFFFFF9C0  }
0x5c: {  	_ =	swait.ge [sflag:s30], $0x640  }
0x5d: {  	[sflag:s30] =	ssyncset.done $0x0  }
0x5e: {  	[sflag:s30] =	ssyncadd.s32 $0xFFFFF9C0  }
0x5f: {  	_ =	swait.ge [sflag:s30], $0x640  }
0x60: {  	[sflag:s30] =	ssyncset.done $0x0  }
0x61: {  	[sflag:s30] =	ssyncadd.s32 $0xFFFFF9C0  }
0x62: {  	_ =	swait.ge [sflag:s30], $0x640  }
0x63: {  	[sflag:s30] =	ssyncset.done $0x0  }
0x64: {  	[sflag:s30] =	ssyncadd.s32 $0xFFFFF9C0  }
0x65: {  	_ =	swait.ge [sflag:s30], $0x640  }
0x66: {  	[sflag:s30] =	ssyncset.done $0x0  }
0x67: {  	[sflag:s30] =	ssyncadd.s32 $0xFFFFF9C0  }
0x68: {  	_ =	swait.ge [sflag:s30], $0x640  }
0x69: {  	[sflag:s30] =	ssyncset.done $0x0  }
0x6a: {  	[sflag:s30] =	ssyncadd.s32 $0xFFFFF9C0  }
0x6b: {  	_ =	swait.ge [sflag:s30], $0x640  }
0x6c: {  	[sflag:s30] =	ssyncset.done $0x0  }
0x6d: {  	[sflag:s30] =	ssyncadd.s32 $0xFFFFF9C0  }
0x6e: {  	_ =	swait.ge [sflag:s30], $0x640  }
0x6f: {  	s0 =	rddreg [dreg:$0xf]  }
0x70: {  	s1 =	simm.s32 $0x70;
	[sflag:s30] =	ssyncset.done $0x0;
	s5 =	smov.u32 s0  }
.LBB2_2:
0x71: {  	[sflag:s30] =	ssyncadd.s32 $0xFFFFF9C0  }
0x72: {  	[hbm4b:s0+s2] =	stream.linear.scatter [tilespmem:s8], [sflag:$0x2], $0x6400, $0x38;
	[tilespmem:$0x6780] =	vst v63  }
0x73: {  	_ =	swait.ge [sflag:s6], $0x6400  }
0x74: {  	s4 =	smov.u32 s1;
	s31 =	rddreg [dreg:$0x3];
	[sflag:s6] =	ssyncset.done $0x0  }
0x75: {  	[sflag:s6] =	ssyncadd.s32 $0xFFFF9C00;
	s4 =	sadd.s32 s4, s31  }
0x76: {  	[tilespmem:s2], [sflag:$0x2] =	stream.linear.gather [hbm4b:s4+s2], $0x380, $0x38;
	[tilespmem:$0x6780] =	vst v63  }
0x77: {  	_ =	swait.ge [sflag:s6], $0x380  }
0x78: {  	s4 =	rddreg [dreg:$0xd]  }
0x79: {  	s31 =	rddreg [dreg:$0xb]  }
0x7a: {  	s9 =	rddreg [dreg:$0x8]  }
0x7b: {  	[sflag:s6] =	ssyncset.done $0x0;
	s10 =	rddreg [dreg:$0x6]  }
0x7c: {  	s11 =	rddreg [dreg:$0x4];
	[sflag:s6] =	ssyncadd.s32 $0xFFFFFC80  }
0x7d: {  	[tilespmem:s8], [sflag:$0x1] =	stream.indirect.gather [hbm4b:s3+s7], $0x20, s2, s7, $0xb8;
	[tilespmem:$0x6780] =	vst v63  }
0x7e: {  	s12 =	rddreg [dreg:$0x5]  }
0x7f: {  	[tilespmem:s12], [sflag:$0x1] =	stream.indirect.gather [hbm4b:s3+s7], $0x20, s11, s7, $0xb8;
	[tilespmem:$0x6780] =	vst v63  }
0x80: {  	s13 =	rddreg [dreg:$0x7]  }
0x81: {  	[tilespmem:s13], [sflag:$0x1] =	stream.indirect.gather [hbm4b:s3+s7], $0x20, s10, s7, $0xb8;
	[tilespmem:$0x6780] =	vst v63  }
0x82: {  	s11 =	rddreg [dreg:$0x9]  }
0x83: {  	[tilespmem:s11], [sflag:$0x1] =	stream.indirect.gather [hbm4b:s3+s7], $0x20, s9, s7, $0xb8;
	[tilespmem:$0x6780] =	vst v63  }
0x84: {  	s10 =	rddreg [dreg:$0xa]  }
0x85: {  	[tilespmem:s31], [sflag:$0x1] =	stream.indirect.gather [hbm4b:s3+s7], $0x20, s10, s7, $0xb8;
	[tilespmem:$0x6780] =	vst v63  }
0x86: {  	s9 =	rddreg [dreg:$0xc]  }
0x87: {  	[tilespmem:s4], [sflag:$0x1] =	stream.indirect.gather [hbm4b:s3+s7], $0x20, s9, s7, $0xb8;
	[tilespmem:$0x6780] =	vst v63  }
0x88: {  	s10 =	simm.s32 $0x2900;
	s9 =	simm.s32 $0x150  }
0x89: {  	[tilespmem:s10], [sflag:$0x1] =	stream.indirect.gather [hbm4b:s3+s7], $0x20, s9, s7, $0xb8;
	[tilespmem:$0x6780] =	vst v63  }
0x8a: {  	s12 =	simm.s32 $0x2F40;
	s11 =	simm.s32 $0x188  }
0x8b: {  	[tilespmem:s12], [sflag:$0x1] =	stream.indirect.gather [hbm4b:s3+s7], $0x20, s11, s7, $0xb8;
	[tilespmem:$0x6780] =	vst v63  }
0x8c: {  	s13 =	simm.s32 $0x1C0  }
0x8d: {  	[tilespmem:s14], [sflag:$0x1] =	stream.indirect.gather [hbm4b:s3+s7], $0x20, s13, s7, $0xb8;
	[tilespmem:$0x6780] =	vst v63  }
0x8e: {  	_ = 	snop  }
0x8f: {  	[tilespmem:s16], [sflag:$0x1] =	stream.indirect.gather [hbm4b:s3+s7], $0x20, s15, s7, $0xb8;
	[tilespmem:$0x6780] =	vst v63  }
0x90: {  	_ = 	snop  }
0x91: {  	[tilespmem:s18], [sflag:$0x1] =	stream.indirect.gather [hbm4b:s3+s7], $0x20, s17, s7, $0xb8;
	[tilespmem:$0x6780] =	vst v63  }
0x92: {  	_ = 	snop  }
0x93: {  	[tilespmem:s20], [sflag:$0x1] =	stream.indirect.gather [hbm4b:s3+s7], $0x20, s19, s7, $0xb8;
	[tilespmem:$0x6780] =	vst v63  }
0x94: {  	_ = 	snop  }
0x95: {  	[tilespmem:s22], [sflag:$0x1] =	stream.indirect.gather [hbm4b:s3+s7], $0x20, s21, s7, $0xb8;
	[tilespmem:$0x6780] =	vst v63  }
0x96: {  	_ = 	snop  }
0x97: {  	[tilespmem:s24], [sflag:$0x1] =	stream.indirect.gather [hbm4b:s3+s7], $0x20, s23, s7, $0xb8;
	[tilespmem:$0x6780] =	vst v63  }
0x98: {  	_ = 	snop  }
0x99: {  	[tilespmem:s26], [sflag:$0x1] =	stream.indirect.gather [hbm4b:s3+s7], $0x20, s25, s7, $0xb8;
	[tilespmem:$0x6780] =	vst v63  }
0x9a: {  	_ = 	snop  }
0x9b: {  	[tilespmem:s29], [sflag:$0x1] =	stream.indirect.gather [hbm4b:s3+s7], $0x20, s28, s7, $0xb8;
	[tilespmem:$0x6780] =	vst v63  }
0x9c: {  	_ =	swait.ge [sflag:s30], $0x640  }
0x9d: {  	[sflag:s30] =	ssyncset.done $0x0  }
0x9e: {  	[sflag:s30] =	ssyncadd.s32 $0xFFFFF9C0  }
0x9f: {  	_ =	swait.ge [sflag:s30], $0x640  }
0xa0: {  	[sflag:s30] =	ssyncset.done $0x0  }
0xa1: {  	[sflag:s30] =	ssyncadd.s32 $0xFFFFF9C0  }
0xa2: {  	_ =	swait.ge [sflag:s30], $0x640  }
0xa3: {  	[sflag:s30] =	ssyncset.done $0x0  }
0xa4: {  	[sflag:s30] =	ssyncadd.s32 $0xFFFFF9C0  }
0xa5: {  	_ =	swait.ge [sflag:s30], $0x640  }
0xa6: {  	[sflag:s30] =	ssyncset.done $0x0  }
0xa7: {  	[sflag:s30] =	ssyncadd.s32 $0xFFFFF9C0  }
0xa8: {  	_ =	swait.ge [sflag:s30], $0x640  }
0xa9: {  	[sflag:s30] =	ssyncset.done $0x0  }
0xaa: {  	[sflag:s30] =	ssyncadd.s32 $0xFFFFF9C0  }
0xab: {  	_ =	swait.ge [sflag:s30], $0x640  }
0xac: {  	[sflag:s30] =	ssyncset.done $0x0  }
0xad: {  	[sflag:s30] =	ssyncadd.s32 $0xFFFFF9C0  }
0xae: {  	_ =	swait.ge [sflag:s30], $0x640  }
0xaf: {  	[sflag:s30] =	ssyncset.done $0x0  }
0xb0: {  	[sflag:s30] =	ssyncadd.s32 $0xFFFFF9C0  }
0xb1: {  	_ =	swait.ge [sflag:s30], $0x640  }
0xb2: {  	[sflag:s30] =	ssyncset.done $0x0  }
0xb3: {  	[sflag:s30] =	ssyncadd.s32 $0xFFFFF9C0  }
0xb4: {  	_ =	swait.ge [sflag:s30], $0x640  }
0xb5: {  	[sflag:s30] =	ssyncset.done $0x0  }
0xb6: {  	[sflag:s30] =	ssyncadd.s32 $0xFFFFF9C0  }
0xb7: {  	_ =	swait.ge [sflag:s30], $0x640  }
0xb8: {  	[sflag:s30] =	ssyncset.done $0x0  }
0xb9: {  	[sflag:s30] =	ssyncadd.s32 $0xFFFFF9C0  }
0xba: {  	_ =	swait.ge [sflag:s30], $0x640  }
0xbb: {  	[sflag:s30] =	ssyncset.done $0x0  }
0xbc: {  	[sflag:s30] =	ssyncadd.s32 $0xFFFFF9C0  }
0xbd: {  	_ =	swait.ge [sflag:s30], $0x640  }
0xbe: {  	[sflag:s30] =	ssyncset.done $0x0  }
0xbf: {  	[sflag:s30] =	ssyncadd.s32 $0xFFFFF9C0  }
0xc0: {  	_ =	swait.ge [sflag:s30], $0x640  }
0xc1: {  	[sflag:s30] =	ssyncset.done $0x0  }
0xc2: {  	[sflag:s30] =	ssyncadd.s32 $0xFFFFF9C0  }
0xc3: {  	_ =	swait.ge [sflag:s30], $0x640  }
0xc4: {  	[sflag:s30] =	ssyncset.done $0x0  }
0xc5: {  	p0 =	sne.s32 s1, $0xD90;
	[sflag:s30] =	ssyncadd.s32 $0xFFFFF9C0  }
.Ltmp0:
0xc6: {  	_ =	swait.ge [sflag:s30], $0x640;
	(pc) =	sbr.rel @p0 .LBB2_2-.Ltmp0, $4  }
0xc7: {  	[sflag:s30] =	ssyncset.done $0x0  }
0xc8: {  	[sflag:s30] =	ssyncadd.s32 $0xFFFFF9C0  }
0xc9: {  	s5 =	sadd.s32 $0xC80, s5;
	_ =	swait.ge [sflag:s30], $0x640  }
0xca: {  	s1 =	sadd.s32 $0x70, s1;
	s0 =	smov.u32 s5;
	[sflag:s30] =	ssyncset.done $0x0  }
0xcb: {  	[sflag:s30] =	ssyncadd.s32 $0xFFFFF9C0  }
0xcc: {  	[hbm4b:s0+s2] =	stream.linear.scatter [tilespmem:s8], [sflag:$0x2], $0x6400, $0x38;
	[tilespmem:$0x6780] =	vst v63  }
0xcd: {  	_ =	swait.ge [sflag:s6], $0x6400  }
0xce: {  	s1 =	rddreg [dreg:$0x10]  }
0xcf: {  	s31 =	rddreg [dreg:$0xe];
	s1 =	sadd.s32 $0x1, s1  }
0xd0: {  	p0 =	sne.s32 s1, s31  }
.Ltmp1:
0xd1: {  	_ = 	snop;
	(pc) =	sbr.rel @p0 .LBB2_1-.Ltmp1, $3  }
0xd2: {  	_ =	sdelay $0x1  }
0xd3: {  	[sflag:s6] =	ssyncset.done $0x0  }
0xd4: {  	[sflag:s6] =	ssyncadd.s32 $0xFFFF9C00  }
0xd5: {  	_ =	sfence.sel $0x180000  }
0xd6: {  	[bflag:$0x0] =	sbarrier.arrive $0xFFFF  }
0xd7: {  	_ =	strace $0x90000047  }
0xd8: {  	s0 =	stileid.u32;
	[bflag:$0x2] =	sbarrier.arrive $0xFFFF  }
0xd9: {  	p0 =	sne.s32 s0, $0x0;
	s0 =	rddreg [dreg:$0x2]  }
0xda: {  	s0 =	sadd.s32 @!p0 $0x100000, s0  }
0xdb: {  	[sflag:s0] =	ssyncadd.tile.s32 @!p0 $0x1;
	_ =	shalt  }
.Lfunc_end2:
_tile_overlayer_lowered:
.L_overlay_start_2:
0xdc: {  	(tag) =	ssettag $0x2  }
0xdd: {  	s0 =	rddreg [dreg:$0x0];
	s2 =	stileid.u32  }
0xde: {  	s1 =	rddreg [dreg:$0x1];
	p0 =	sne.s32 s2, $0x0  }
0xdf: {  	s3 =	rddreg [dreg:$0x2];
	[bflag:$0x3] =	sbarrier.arrive $0xFFFF;
	s2 =	simm.s32 @!p0 $0x1C02  }
0xe0: {  	[timem:s3], [sflag:s2] =	dma.local @!p0 [hbm:s0], s1  }
0xe1: {  	s0 =	simm.s32 @!p0 $0x2  }
0xe2: {  	_ =	swait.ge @!p0 [sflag:s0], s1  }
0xe3: {  	s1 =	ssub.s32 @!p0 $0x0, s1;
	[sflag:s0] =	ssyncset.done @!p0 $0x0  }
0xe4: {  	[sflag:s0] =	ssyncadd.s32 @!p0 s1  }
0xe5: {  	[bflag:$0x3] =	sbarrier.arrive $0xFFFF  }
0xe6: {  	_ =	shalt  }

// kernel: sparse-core-data-format-call.cloned.1.call-start
scs
called_computation_lowered:
.L_overlay_start_0:
0x0: {  	s2 =	sld [smem:$0x3FD9]  }
0x1: {  	s3 =	sld [smem:$0x3FFE];
	_ =	sdelay $0x1  }
0x2: {  	s1 =	srdreg.scid  }
0x3: {  	s0 =	sand.u32 $0x1, s1  }
0x4: {  	s18 =	sshll.u32 s0, $0xA;
	s2 =	sadd.s32 s3, s2  }
0x5: {  	s2 =	sadd.s32 s2, s18  }
0x6: {  	[smem:$0x3FC6] =	sst s2  }
0x7: {  	_ = 	snop  }
0x8: {  	s2 =	sld [smem:$0x3FD0];
	(tm) =	ssettm $0x1  }
0x9: {  	s19 =	sld [smem:$0x3FFB];
	_ =	sdelay $0x3  }
0xa: {  	_ =	strace s19  }
0xb: {  	s3 =	sld [smem:$0x3FFC];
	_ =	sdelay $0x3  }
0xc: {  	_ =	strace s3  }
0xd: {  	s3 =	sld [smem:$0x3FFD];
	_ =	sdelay $0x3  }
0xe: {  	_ =	strace s3  }
0xf: {  	_ =	strace $0x8FFFFFFF  }
0x10: {  	s20 =	sld [smem:$0x3FDB];
	_ =	sdelay $0x1  }
0x11: {  	s4 =	simm.s32 $_scs_section_size  }
0x12: {  	s5 =	simm.s32 $_size__tile_overlayer_lowered;
	s6 =	simm.s32 $_tile_overlayer_lowered  }
0x13: {  	s23 =	simm.s32 $0x1BFF;
	s22 =	sshll.u32 s6, $0x1;
	s3 =	sadd.s32 s4, s20  }
0x14: {  	s7 =	simm.s32 $0x0;
	s21 =	sshll.u32 s5, $0x1;
	s5 =	sadd.s32 s22, s3  }
0x15: {  	[timem:s7], [sflag:s23] =	dma.local [hbm:s5], s21  }
0x16: {  	_ =	swait.ge [sflag:s23], s21  }
0x17: {  	s4 =	ssub.s32 $0x0, s21;
	[sflag:s23] =	ssyncset.done $0x0  }
0x18: {  	[sflag:s23] =	ssyncadd.s32 s4;
	_ =	sdelay $0x1  }
0x19: {  	s24 =	simm.s32 $0x1B8B  }
0x1a: {  	_ =	swait.ge [sflag:s24], $0x1  }
0x1b: {  	[sflag:s24] =	ssyncset.done $0x0  }
0x1c: {  	s26 =	simm.s32 $0x1B8E;
	s25 =	sld [smem:$0x3FFE];
	[sflag:s24] =	ssyncadd.s32 $0xFFFFFFFF  }
0x1d: {  	s27 =	simm.s32 $execute0_lowered;
	[smem:$0x3FD2] =	sst s26  }
0x1e: {  	s5 =	sshll.u32 s27, $0x1;
	_ =	strace $0x80000049;
	[dreg:$0x1] =	wrdreg $0xFFFFFFFF  }
0x1f: {  	s28 =	simm.s32 $_size_execute0_lowered;
	s3 =	sadd.s32 s3, s5;
	[dreg:$0x0] =	wrdreg $0x0  }
0x20: {  	s5 =	sshll.u32 s28, $0x1;
	[dreg:$0x2] =	wrdreg s3  }
0x21: {  	[dreg:$0x3] =	wrdreg s5  }
0x22: {  	[dreg:$0x4] =	wrdreg $0xC0  }
0x23: {  	_ =	task [dreg:s7], $0x5FFFF  }
0x24: {  	[dreg:$0x1] =	wrdreg $0xFFFFFFFF  }
0x25: {  	[dreg:$0x0] =	wrdreg $0x60  }
0x26: {  	[dreg:$0x2] =	wrdreg s25  }
0x27: {  	[dreg:$0x3] =	wrdreg s2  }
0x28: {  	[dreg:$0x4] =	wrdreg $0x9  }
0x29: {  	_ =	task.clear_ibuf [dreg:s7], $0x5FFFF;
	_ =	strace $0x90000049  }
0x2a: {  	s29 =	simm.s32 $0x9;
	_ =	strace $0x8000004B  }
0x2b: {  	_ =	swait.ge [sflag:s29], $0x1  }
0x2c: {  	[sflag:s29] =	ssyncadd.s32 $0xFFFFFFFF  }
0x2d: {  	_ =	strace $0x9000004B  }
0x2e: {  	_ =	sfence  }
0x2f: {  	s30 =	sld [smem:$0x0];
	_ =	sdelay $0x2  }
0x30: {  	s31 =	sshll.u32 s1, $0xD;
	s1 =	sshrl.u32 s1, $0x2  }
0x31: {  	s3 =	sand.u32 $0x4000, s31;
	s1 =	sadd.s32 s1, s30  }
0x32: {  	s0 =	sor.u32 s3, s0;
	s1 =	sshll.u32 s1, $0x11  }
0x33: {  	s0 =	sor.u32 s1, s0  }
0x34: {  	s0 =	sadd.s32 $0x8F2B, s0  }
0x35: {  	[sflag:s0] =	ssyncadd.remote.s32 $0x1  }
0x36: {  	_ =	sfence.sel $0xFFFF  }
0x37: {  	[dreg:$0x0] =	wrdreg $0xFFFFFFFF;
	(pc) =	sbr.abs _section_cstart, $3  }
0x38: {  	[dreg:$0x1] =	wrdreg $0xFFFFFFFF  }
0x39: {  	_ =	task.clear_ibuf [dreg:s7], $0x2FFFF;
	_ =	strace $0x9FFFFFFF  }
0x3a: {  	(tm) =	ssettm $0x7FFFFFFF  }
0x3b: {  	_ =	shalt  }
tec
execute0_lowered:
.L_overlay_start_1:
0x0: {  	(tag) =	ssettag $0x1  }
0x1: {  	s0 =	srdreg.scid  }
0x2: {  	s1 =	sshll.u32 s0, $0x4  }
0x3: {  	s0 =	stileid.u32;
	s1 =	sand.u32 $0x10, s1  }
0x4: {  	s1 =	sor.u32 s0, s1  }
0x5: {  	s6 =	rddreg [dreg:$0x0];
	s4 =	simm.s32 $0x1;
	s2 =	sshll.u32 s1, $0x7  }
0x6: {  	s7 =	simm.s32 $0x2;
	s12 =	simm.s32 $0x0;
	s1 =	ssub.s32 $0x4000, s2  }
0x7: {  	s8 =	simm.s32 $0x20000;
	s13 =	simm.s32 $0x0;
	s3 =	sand.u32 $0xF80, s1  }
0x8: {  	s9 =	simm.s32 $0x0;
	s5 =	sshrl.u32 s1, $0xC;
	p0 =	sne.s32 s3, $0x0  }
.Ltmp0:
0x9: {  	s1 =	rddreg [dreg:$0x2];
	s4 =	simm.s32 @!p0 $0x0;
	(pc) =	sbr.rel .LBB1_1-.Ltmp0, $4  }
0xa: {  	s11 =	simm.s32 $0x0;
	s3 =	rddreg [dreg:$0x1];
	s5 =	sadd.s32 s4, s5  }
0xb: {  	_ =	strace $0x8000004A;
	s4 =	simm.s32 $0x1;
	s5 =	smul.u32 $0x32, s5  }
0xc: {  	s6 =	sadd.s32 $0xA00, s6;
	s10 =	smov.u32 s2;
	[sflag:s4] =	ssyncpa.u1 $0x0  }
0xd: {  	p0 =	por $0x0, $0x0;
	[sflag:s7] =	ssyncpa.u1 $0x0;
	s7 =	sor.u32 $0x1, s5  }
.LBB1_4:
0xe: {  	s16 =	sshll.u32 s13, $0x3;
	s17 =	sand.u32 $0x78, s13  }
0xf: {  	s30 =	sand.u32 $0xF800, s13;
	s12 =	sshll.u32 s12, $0x10;
	s16 =	sand.u32 $0x3C00, s16  }
0x10: {  	s31 =	sand.u32 $0x7, s13;
	s16 =	sor.u32 s17, s16;
	s17 =	sadd.s32 s3, s30  }
0x11: {  	s13 =	sshll.u32 s31, $0x12;
	s16 =	sshrl.u32 s16, $0x3;
	s12 =	sadd.s32 s12, s17  }
0x12: {  	[tilespmem:s15+$0x0 ss:$0x81] =	vst.msk $0xffff, v0;
	s13 =	sor.u32 $0x400, s13;
	s12 =	sadd.s32 s16, s12  }
0x13: {  	[hbm4b:s12+s13] =	stream.strided.scatter [tilespmem:s14], [sflag:$0x2], $0x1000, s8, s13, $0x20;
	[tilespmem:$0x4040] =	vst v63  }
.LBB1_5:
0x14: {  	s14 =	sadd.s32 $0x1, s9  }
0x15: {  	s12 =	sadd.s32 $0x1000, s10;
	s16 =	smov.u32 s10;
	p2 =	sgt.s32 s14, $0x31  }
0x16: {  	s16 =	smov.u32 @p2 s12  }
0x17: {  	s14 =	simm.s32 @p2 $0x0;
	p2 =	sgt.s32 s16, $0x3FFF  }
0x18: {  	s16 =	smov.u32 @p2 s2;
	p2 =	sne.s32 s11, s7  }
.Ltmp1:
0x19: {  	p1 =	slt.u32 s11, $0x2;
	(pc) =	sbr.rel @!p2 .LBB1_6-.Ltmp1, $4  }
0x1a: {  	s15 =	simm.s32 @!p1 $0x2  }
0x1b: {  	s13 =	smov.u32 s10;
	p0 =	por !p0, !p0;
	_ =	swait.ge @!p1 [sflag:s15], $0x1000  }
0x1c: {  	s12 =	smov.u32 s9;
	[sflag:s15] =	ssyncset.done @!p1 $0x0;
	s9 =	smov.u32 s14  }
0x1d: {  	s11 =	sadd.s32 $0x1, s11;
	[sflag:s15] =	ssyncadd.s32 @!p1 $0xFFFFF000;
	s10 =	smov.u32 s16  }
.LBB1_1:
0x1e: {  	p1 =	sge.u32 s11, s5  }
0x1f: {  	s14 =	sand.u32 @!p1 $0x1FFFFFF, s9  }
0x20: {  	s15 =	smulhi.u32 @!p1 $0x4924925, s14;
	_ =	sdelay $0x1  }
0x21: {  	s15 =	smul.u32 @!p1 $0x38, s15  }
0x22: {  	s16 =	sxor.u32 @!p1 $0xFFFFFFFF, s11;
	s17 =	smul.u32 @!p1 $0x380, s10  }
0x23: {  	s31 =	sadd.s32 $0xFFFFFFFF, s11;
	s16 =	sshll.u32 @!p1 s16, $0xC;
	s14 =	ssub.s32 @!p1 s14, s15  }
0x24: {  	s15 =	sand.u32 @!p1 $0x1000, s16;
	s16 =	sadd.s32 @!p1 s6, s17;
	s14 =	sshll.u32 @!p1 s14, $0x4  }
0x25: {  	s17 =	simm.s32 @!p1 $0x1C00;
	s14 =	sadd.s32 @!p1 s14, s16;
	s16 =	simm.s32 @!p1 $0x20  }
0x26: {  	[tilespmem:s15], [sflag:$0x1] =	stream.strided.gather @!p1 [hbm4b:s14+s16], $0x1000, s17, s16, $0x38;
	[tilespmem:$0x4040] =	vst v63  }
0x27: {  	p1 =	sge.u32 s31, s5  }
.Ltmp2:
0x28: {  	_ = 	snop;
	(pc) =	sbr.rel @p1 .LBB1_5-.Ltmp2, $1  }
0x29: {  	_ =	sdelay $0x3  }
0x2a: {  	s14 =	simm.s32 $0x1  }
0x2b: {  	_ =	swait.ge [sflag:s4], $0x1000;
	s14 =	simm.s32 @!p0 $0x0  }
0x2c: {  	[sflag:s4] =	ssyncset.done $0x0;
	s15 =	sshll.u32 s14, $0xC  }
0x2d: {  	[sflag:s4] =	ssyncadd.s32 $0xFFFFF000;
	s18 =	sor.u32 $0x10, s15  }
0x2e: {  	s14 =	smul.u32 $0x4080, s14;
	v1 =	vld [tilespmem:s18+$0x0]  }
0x2f: {  	s30 =	sand.u32 $0x1, s11;
	v0 =	vld [tilespmem:s18+$0xFFFFFFF0]  }
0x30: {  	s15 =	smul.u32 $0x4080, s30;
	s14 =	sshrl.u32 s14, $0x2  }
0x31: {  	s16 =	sor.u32 $0x2000, s14  }
0x32: {  	s31 =	sshrl.u32 s15, $0x2;
	s15 =	sadd.s32 $0x0, s16  }
0x33: {  	s17 =	simm.s32 $0x4;
	s18 =	sadd.s32 $0x20, s18;
	s14 =	sor.u32 $0x2000, s31;
	[tilespmem:s15+$0x810 ss:$0x81] =	vst.msk $0xffff, v1  }
.LBB1_3:
0x34: {  	v1 =	vld [tilespmem:s18+$0x0];
	p1 =	sne.s32 s17, $0x1FC;
	[tilespmem:s15+$0x0 ss:$0x81] =	vst.msk $0xffff, v0;
	s15 =	smov.u32 s17;
	s17 =	sadd.s32 $0x4, s17  }
.Ltmp3:
0x35: {  	v0 =	vld [tilespmem:s18+$0xFFFFFFF0];
	(pc) =	sbr.rel @p1 .LBB1_3-.Ltmp3, $4  }
0x36: {  	_ = 	snop  }
0x37: {  	s15 =	sshra.s32 s15, $0x2  }
0x38: {  	s15 =	sadd.s32 s15, s16  }
0x39: {  	s18 =	sadd.s32 $0x20, s18;
	[tilespmem:s15+$0x810 ss:$0x81] =	vst.msk $0xffff, v1  }
.Ltmp4:
0x3a: {  	_ = 	snop;
	(pc) =	sbr.rel .LBB1_4-.Ltmp4, $1  }
0x3b: {  	_ =	sdelay $0x3  }
.LBB1_6:
0x3c: {  	_ =	sfence.sel $0x180000  }
0x3d: {  	s2 =	simm.s32 $0x1;
	[bflag:$0x0] =	sbarrier.arrive $0xFFFF  }
0x3e: {  	s31 =	simm.s32 $0x2;
	[sflag:s2] =	ssyncpa.u1 $0x1  }
0x3f: {  	[sflag:s31] =	ssyncpa.u1 $0x1  }
0x40: {  	p0 =	sne.s32 s0, $0x0;
	_ =	strace $0x9000004A  }
0x41: {  	s0 =	sadd.s32 @!p0 $0x100000, s1;
	[bflag:$0x2] =	sbarrier.arrive $0xFFFF  }
0x42: {  	[sflag:s0] =	ssyncadd.tile.s32 @!p0 $0x1;
	_ =	shalt  }
.Lfunc_end1:
_tile_overlayer_lowered:
.L_overlay_start_2:
0x43: {  	(tag) =	ssettag $0x2  }
0x44: {  	s0 =	rddreg [dreg:$0x0];
	s2 =	stileid.u32  }
0x45: {  	s1 =	rddreg [dreg:$0x1];
	p0 =	sne.s32 s2, $0x0  }
0x46: {  	s3 =	rddreg [dreg:$0x2];
	[bflag:$0x3] =	sbarrier.arrive $0xFFFF;
	s2 =	simm.s32 @!p0 $0x1C01  }
0x47: {  	[timem:s3], [sflag:s2] =	dma.local @!p0 [hbm:s0], s1  }
0x48: {  	s0 =	simm.s32 @!p0 $0x1  }
0x49: {  	_ =	swait.ge @!p0 [sflag:s0], s1  }
0x4a: {  	s1 =	ssub.s32 @!p0 $0x0, s1;
	[sflag:s0] =	ssyncset.done @!p0 $0x0  }
0x4b: {  	[sflag:s0] =	ssyncadd.s32 @!p0 s1  }
0x4c: {  	[bflag:$0x3] =	sbarrier.arrive $0xFFFF  }
0x4d: {  	_ =	shalt  }

</sc_bundles>
